<compile_context>
chip_gen: v7x
topology: tpu7x:2x2x1
jax: 0.10.2.dev20260603
libtpu: 0.0.44.dev20260713+nightly
codegen_flags: <defaults>
</compile_context>

<pallas_src>
import functools

import jax
import jax.numpy as jnp
from jax import lax
from jax.experimental import pallas as pl
from jax.experimental.pallas import tpu as pltpu
from jax.experimental.pallas import tpu_sc as plsc

N = 10000
E = 320000
D = 128
DH = 64
NPAD = 10240
ROW_BLK = 1024
GRID = NPAD // ROW_BLK

NW = 32
EPW = E // NW
DEG_CHUNK = 2000

B = 80
RPT = N // 16


def _deg_body(col_hbm, out_hbm, colbuf, hist):
    c = lax.axis_index("c")
    s = lax.axis_index("s")
    wid = s * 2 + c
    zero16 = jnp.zeros((16,), jnp.float32)
    one16 = jnp.ones((16,), jnp.float32)

    def zb(i, carry):
        hist[pl.ds(i * 16, 16)] = zero16
        return carry

    lax.fori_loop(0, NPAD // 16, zb, 0)
    base = pl.multiple_of(wid * EPW, 8)

    def stage_fn(st, carry):
        off = pl.multiple_of(base + st * DEG_CHUNK, 8)
        pltpu.sync_copy(col_hbm.at[pl.ds(off, DEG_CHUNK)], colbuf)

        def inner(k, carry2):
            cv = colbuf[pl.ds(k * 16, 16)]
            plsc.addupdate_scatter(hist, [cv], one16)
            return carry2

        lax.fori_loop(0, DEG_CHUNK // 16, inner, 0)
        return carry

    lax.fori_loop(0, EPW // DEG_CHUNK, stage_fn, 0)
    pltpu.sync_copy(hist, out_hbm.at[wid])


_deg = pl.kernel(
    _deg_body,
    mesh=plsc.VectorSubcoreMesh(core_axis_name="c", subcore_axis_name="s"),
    compiler_params=pltpu.CompilerParams(needs_layout_passes=False, use_tc_tiling_on_sc=False),
    out_type=jax.ShapeDtypeStruct((NW, NPAD), jnp.float32),
    scratch_types=[
        pltpu.VMEM((DEG_CHUNK,), jnp.int32),
        pltpu.VMEM((NPAD,), jnp.float32),
    ],
)


def _scale_body(parts_ref, x_ref, w_ref, lo_ref, hi_ref, dinv_ref):
    i = pl.program_id(0)
    deg = jnp.sum(parts_ref[:, pl.ds(i * ROW_BLK, ROW_BLK)], axis=0) + 1.0
    dinv = lax.rsqrt(deg)[:, None]
    dinv_ref[...] = dinv
    y = lax.dot_general(x_ref[...], w_ref[...], (((1,), (1,)), ((), ())),
                        preferred_element_type=jnp.float32)
    ys = y * dinv
    lo_ref[...] = ys[:, :DH]
    hi_ref[...] = ys[:, DH:]


def _scale(parts, x, W):
    return pl.pallas_call(
        _scale_body,
        grid=(GRID,),
        in_specs=[
            pl.BlockSpec((NW, NPAD), lambda i: (0, 0)),
            pl.BlockSpec((ROW_BLK, D), lambda i: (i, 0)),
            pl.BlockSpec((D, D), lambda i: (0, 0)),
        ],
        out_specs=[
            pl.BlockSpec((ROW_BLK, DH), lambda i: (i, 0)),
            pl.BlockSpec((ROW_BLK, DH), lambda i: (i, 0)),
            pl.BlockSpec((ROW_BLK, 1), lambda i: (i, 0)),
        ],
        out_shape=[
            jax.ShapeDtypeStruct((N, DH), jnp.float32),
            jax.ShapeDtypeStruct((N, DH), jnp.float32),
            jax.ShapeDtypeStruct((N, 1), jnp.float32),
        ],
    )(parts, x, W)


EPT = E // 16
STG = 2000
NSTG = EPT // STG
NB_S = STG // B


def _scat_body(row_hbm, col_hbm, yslo_hbm, yshi_hbm, plo_hbm, phi_hbm,
               shys, shacc, rows_a, cols_a, rows_b, cols_b, g0, g1,
               gs0, gs1, isem_r, isem_c):
    c = lax.axis_index("c")
    s = lax.axis_index("s")
    r0 = s * RPT

    @pl.when(c == 0)
    def _():
        pltpu.sync_copy(yslo_hbm.at[pl.ds(r0, RPT)], shys.at[pl.ds(r0, RPT)])
        pltpu.sync_copy(yslo_hbm.at[pl.ds(r0, RPT)], shacc.at[pl.ds(r0, RPT)])

    @pl.when(c == 1)
    def _():
        pltpu.sync_copy(yshi_hbm.at[pl.ds(r0, RPT)], shys.at[pl.ds(r0, RPT)])
        pltpu.sync_copy(yshi_hbm.at[pl.ds(r0, RPT)], shacc.at[pl.ds(r0, RPT)])

    plsc.subcore_barrier()

    e0 = s * EPT

    ga, gb = g0, g1
    gsem_a, gsem_b = gs0, gs1

    def drain(g_buf, g_sem):
        pltpu.make_async_copy(yslo_hbm.at[pl.ds(0, B)], g_buf, g_sem).wait()

    def prefetch(st, rows_v, cols_v):
        off = pl.multiple_of(e0 + st * STG, 8)
        pltpu.async_copy(row_hbm.at[pl.ds(off, STG)], rows_v, isem_r)
        pltpu.async_copy(col_hbm.at[pl.ds(off, STG)], cols_v, isem_c)

    def wait_prefetch(rows_v, cols_v):
        pltpu.make_async_copy(row_hbm.at[pl.ds(0, STG)], rows_v, isem_r).wait()
        pltpu.make_async_copy(col_hbm.at[pl.ds(0, STG)], cols_v, isem_c).wait()

    def do_stage(rows_v, cols_v):
        pltpu.async_copy(shys.at[rows_v.at[pl.ds(0, B)]], ga, gsem_a)

        def bat(k, carry):
            drain(ga, gsem_a)
            pltpu.async_copy(shys.at[rows_v.at[pl.ds((2 * k + 1) * B, B)]], gb, gsem_b)
            pltpu.sync_copy(ga, shacc.at[cols_v.at[pl.ds((2 * k) * B, B)]], add=True)
            drain(gb, gsem_b)
            pltpu.async_copy(shys.at[rows_v.at[pl.ds((2 * k + 2) * B, B)]], ga, gsem_a)
            pltpu.sync_copy(gb, shacc.at[cols_v.at[pl.ds((2 * k + 1) * B, B)]], add=True)
            return carry

        lax.fori_loop(0, (NB_S - 1) // 2, bat, 0)
        drain(ga, gsem_a)
        pltpu.sync_copy(ga, shacc.at[cols_v.at[pl.ds((NB_S - 1) * B, B)]], add=True)

    off0 = pl.multiple_of(e0, 8)
    pltpu.sync_copy(row_hbm.at[pl.ds(off0, STG)], rows_a)
    pltpu.sync_copy(col_hbm.at[pl.ds(off0, STG)], cols_a)

    def stage_pair(j, carry):
        nxt = jnp.minimum(2 * j + 1, NSTG - 1)
        prefetch(nxt, rows_b, cols_b)
        do_stage(rows_a, cols_a)
        wait_prefetch(rows_b, cols_b)
        nxt2 = jnp.minimum(2 * j + 2, NSTG - 1)
        prefetch(nxt2, rows_a, cols_a)
        do_stage(rows_b, cols_b)
        wait_prefetch(rows_a, cols_a)
        return carry

    lax.fori_loop(0, NSTG // 2, stage_pair, 0)
    plsc.subcore_barrier()

    @pl.when(c == 0)
    def _():
        pltpu.sync_copy(shacc.at[pl.ds(r0, RPT)], plo_hbm.at[pl.ds(r0, RPT)])

    @pl.when(c == 1)
    def _():
        pltpu.sync_copy(shacc.at[pl.ds(r0, RPT)], phi_hbm.at[pl.ds(r0, RPT)])


_scatter = pl.kernel(
    _scat_body,
    mesh=plsc.VectorSubcoreMesh(core_axis_name="c", subcore_axis_name="s"),
    compiler_params=pltpu.CompilerParams(needs_layout_passes=False, use_tc_tiling_on_sc=False),
    out_type=(
        jax.ShapeDtypeStruct((N, DH), jnp.float32),
        jax.ShapeDtypeStruct((N, DH), jnp.float32),
    ),
    scratch_types=[
        pltpu.VMEM_SHARED((N, DH), jnp.float32),
        pltpu.VMEM_SHARED((N, DH), jnp.float32),
        pltpu.VMEM((STG,), jnp.int32),
        pltpu.VMEM((STG,), jnp.int32),
        pltpu.VMEM((STG,), jnp.int32),
        pltpu.VMEM((STG,), jnp.int32),
        pltpu.VMEM((B, DH), jnp.float32),
        pltpu.VMEM((B, DH), jnp.float32),
        pltpu.SemaphoreType.DMA,
        pltpu.SemaphoreType.DMA,
        pltpu.SemaphoreType.DMA,
        pltpu.SemaphoreType.DMA,
    ],
)


def _final_body(plo_ref, phi_ref, dinv_ref, b_ref, pos_ref, o_ref):
    agg = jnp.concatenate([plo_ref[...], phi_ref[...]], axis=1) * dinv_ref[...]
    o_ref[...] = agg + b_ref[...] + pos_ref[...]


def _final(plo, phi, dinv, b2, pos):
    return pl.pallas_call(
        _final_body,
        grid=(GRID,),
        in_specs=[
            pl.BlockSpec((ROW_BLK, DH), lambda i: (i, 0)),
            pl.BlockSpec((ROW_BLK, DH), lambda i: (i, 0)),
            pl.BlockSpec((ROW_BLK, 1), lambda i: (i, 0)),
            pl.BlockSpec((1, D), lambda i: (0, 0)),
            pl.BlockSpec((ROW_BLK, D), lambda i: (i, 0)),
        ],
        out_specs=pl.BlockSpec((ROW_BLK, D), lambda i: (i, 0)),
        out_shape=jax.ShapeDtypeStruct((N, D), jnp.float32),
    )(plo, phi, dinv, b2, pos)


def kernel(x, edge_index, W, b, pos_embedding):
    row = edge_index[0]
    col = edge_index[1]
    parts = _deg(col)
    yslo, yshi, dinv = _scale(parts, x, W)
    plo, phi = _scatter(row, col, yslo, yshi)
    return _final(plo, phi, dinv, b.reshape(1, D), pos_embedding)

# --- scband reference (transcript-rebuilt; emitter-appended) ---
"""Pipeline reference for scband-graph-embedding-52596169507597 (READ-ONLY COPY).

The authoritative reference and input builder live on the scoring server;
editing this copy changes nothing except your own understanding.
"""

import jax, jax.numpy as jnp
import numpy as np

N = 10000
E = 320000
D_IN = 128
D_OUT = 128


def setup_inputs(seed: int = 0) -> dict:
    key = jax.random.key(seed)
    k1, k2, k3, k4 = jax.random.split(key, 4)
    x = jax.random.normal(k1, (N, D_IN), dtype=jnp.float32)
    edge_index = jax.random.randint(k2, (2, E), 0, N, dtype=jnp.int32)
    # SGConv linear weight (out_features, in_features) + bias
    W = jax.random.normal(k3, (D_OUT, D_IN), dtype=jnp.float32) * (1.0 / np.sqrt(D_IN))
    b = jnp.zeros((D_OUT,), dtype=jnp.float32)
    pos_embedding = jax.random.normal(k4, (N, D_OUT), dtype=jnp.float32)
    return {"x": x, "edge_index": edge_index, "W": W, "b": b, "pos_embedding": pos_embedding}


def reference(x, edge_index, W, b, pos_embedding):
    # SGConv with K=1: symmetric gcn_norm with added self-loops, then linear.
    row = edge_index[0]
    col = edge_index[1]
    loop = jnp.arange(N, dtype=row.dtype)
    row = jnp.concatenate([row, loop])
    col = jnp.concatenate([col, loop])
    ew = jnp.ones(row.shape[0], dtype=x.dtype)
    deg = jnp.zeros((N,), dtype=x.dtype).at[col].add(ew)
    deg_inv_sqrt = jnp.where(deg > 0, 1.0 / jnp.sqrt(deg), 0.0)
    norm = deg_inv_sqrt[row] * ew * deg_inv_sqrt[col]
    # one propagation step: scatter-add normalized source features into dst nodes
    msg = norm[:, None] * x[row]
    agg = jnp.zeros((N, x.shape[1]), dtype=x.dtype).at[col].add(msg)
    out = agg @ W.T + b
    out = out + pos_embedding
    # original returns (x, None); the None branch (edge_emb) is disabled, so return the array
    return out

if __name__ == "__main__":
    import jax
    _d = setup_inputs()
    print(jax.jit(kernel)(*tuple(_d.values())))

</pallas_src>

<mosaic_0001>
#map = affine_map<(d0, d1) -> (0)>
#map1 = affine_map<(d0, d1) -> (0, 0)>
module attributes {stable_mosaic.version = 14 : i64} {
  func.func @_deg_body(%arg0: i32, %arg1: i32, %arg2: memref<320000xi32, #tpu.memory_space<hbm>>, %arg3: memref<32x10240xf32, #tpu.memory_space<hbm>>, %arg4: memref<2000xi32, #tpu.memory_space<vmem>>, %arg5: memref<10240xf32, #tpu.memory_space<vmem>>) attributes {dimension_semantics = [#tpu.dimension_semantics<core_parallel>, #tpu.dimension_semantics<subcore_parallel>], iteration_bounds = array<i64: 2, 16>, scalar_prefetch = 0 : i64, scratch_operands = 2 : i64, tpu.core_type = #tpu.core_type<sc_vector_subcore>, window_params = [{transform_indices = #map}, {transform_indices = #map1}]} {
    %mul3A = arith.constant 2 : i32
    %mul3A_0 = arith.muli %arg1, %mul3A : i32
    %add3A = arith.addi %mul3A_0, %arg0 : i32
    %broadcast_in_dim3A = arith.constant 0.000000e+00 : f32
    %broadcast_in_dim3A_1 = vector.broadcast %broadcast_in_dim3A : f32 to vector<16xf32>
    %broadcast_in_dim3A_2 = arith.constant 1.000000e+00 : f32
    %broadcast_in_dim3A_3 = vector.broadcast %broadcast_in_dim3A_2 : f32 to vector<16xf32>
    %scan3A = arith.constant 0 : i32
    %scan3A_4 = arith.constant 0 : i32
    %scan3A_5 = arith.constant 640 : i32
    %scan3A_6 = arith.addi %scan3A_4, %scan3A_5 : i32
    %scan3A_7 = arith.constant 1 : i32
    scf.for %scan3A_17 = %scan3A_4 to %scan3A_6 step %scan3A_7  : i32 {
      %mul3A_18 = arith.constant 16 : i32
      %mul3A_19 = arith.muli %scan3A_17, %mul3A_18 : i32
      %swap3A = arith.index_cast %mul3A_19 : i32 to index
      %swap3A_20 = tpu.vector_load %arg5[%swap3A] {strides = array<i32>} : memref<10240xf32, #tpu.memory_space<vmem>>, vector<16xf32>,
      tpu.vector_store %arg5[%swap3A], %broadcast_in_dim3A_1 {strides = array<i32>} : memref<10240xf32, #tpu.memory_space<vmem>>, vector<16xf32>,
    }
    %scan3A_8 = arith.constant 640 : i32
    %mul3A_9 = arith.constant 10000 : i32
    %mul3A_10 = arith.muli %add3A, %mul3A_9 : i32
    %multiple_of3A = tpu.assume_multiple %mul3A_10, 8 : i32
    %scan3A_11 = arith.constant 0 : i32
    %scan3A_12 = arith.constant 0 : i32
    %scan3A_13 = arith.constant 5 : i32
    %scan3A_14 = arith.addi %scan3A_12, %scan3A_13 : i32
    %scan3A_15 = arith.constant 1 : i32
    scf.for %scan3A_17 = %scan3A_12 to %scan3A_14 step %scan3A_15  : i32 {
      %mul3A_18 = arith.constant 2000 : i32
      %mul3A_19 = arith.muli %scan3A_17, %mul3A_18 : i32
      %add3A_20 = arith.addi %multiple_of3A, %mul3A_19 : i32
      %multiple_of3A_21 = tpu.assume_multiple %add3A_20, 8 : i32
      "tpu.region"() ({
        %run_scoped3A = tpu.sem_alloc : memref<!tpu.dma_semaphore, #tpu.memory_space<semaphore_mem>>
        %dma_start3A = tpu.memref_slice %arg2[%multiple_of3A_21] : memref<320000xi32, #tpu.memory_space<hbm>> -> memref<2000xi32, #tpu.memory_space<hbm>>
        %dma_start3A_28 = tpu.memref_slice %arg2[%multiple_of3A_21] : memref<320000xi32, #tpu.memory_space<hbm>> -> memref<2000xi32, #tpu.memory_space<hbm>>
        tpu.enqueue_dma source(%dma_start3A_28 : memref<2000xi32, #tpu.memory_space<hbm>>) target(%arg4 : memref<2000xi32, #tpu.memory_space<vmem>>) target_semaphore(%run_scoped3A : memref<!tpu.dma_semaphore, #tpu.memory_space<semaphore_mem>>)
        %dma_wait3A = tpu.memref_slice %arg2[%multiple_of3A_21] : memref<320000xi32, #tpu.memory_space<hbm>> -> memref<2000xi32, #tpu.memory_space<hbm>>
        %dma_wait3A_29 = tpu.memref_slice %arg2[%multiple_of3A_21] : memref<320000xi32, #tpu.memory_space<hbm>> -> memref<2000xi32, #tpu.memory_space<hbm>>
        tpu.wait_dma2 semaphore(%run_scoped3A : memref<!tpu.dma_semaphore, #tpu.memory_space<semaphore_mem>>) src(%dma_wait3A_29 : memref<2000xi32, #tpu.memory_space<hbm>>) dst(%arg4 : memref<2000xi32, #tpu.memory_space<vmem>>)
        tpu.yield
      }) : () -> ()
      %scan3A_22 = arith.constant 0 : i32
      %scan3A_23 = arith.constant 0 : i32
      %scan3A_24 = arith.constant 125 : i32
      %scan3A_25 = arith.addi %scan3A_23, %scan3A_24 : i32
      %scan3A_26 = arith.constant 1 : i32
      scf.for %scan3A_28 = %scan3A_23 to %scan3A_25 step %scan3A_26  : i32 {
        %mul3A_29 = arith.constant 16 : i32
        %mul3A_30 = arith.muli %scan3A_28, %mul3A_29 : i32
        %get3A = arith.index_cast %mul3A_30 : i32 to index
        %get3A_31 = tpu.vector_load %arg4[%get3A] {strides = array<i32>} : memref<2000xi32, #tpu.memory_space<vmem>>, vector<16xi32>,
        tpu.vector_store_idx %arg5[%get3A_31], %broadcast_in_dim3A_3 {add = true} : memref<10240xf32, #tpu.memory_space<vmem>>[vector<16xi32>], vector<16xf32>,
      }
      %scan3A_27 = arith.constant 125 : i32
    }
    %scan3A_16 = arith.constant 5 : i32
    "tpu.region"() ({
      %run_scoped3A = tpu.sem_alloc : memref<!tpu.dma_semaphore, #tpu.memory_space<semaphore_mem>>
      %dma_start3A = arith.constant 0 : i32
      %dma_start3A_17 = tpu.memref_slice %arg3[%add3A, %dma_start3A] : memref<32x10240xf32, #tpu.memory_space<hbm>> -> memref<1x10240xf32, #tpu.memory_space<hbm>>
      %dma_start3A_18 = tpu.memref_squeeze %dma_start3A_17 : memref<1x10240xf32, #tpu.memory_space<hbm>> -> memref<10240xf32, #tpu.memory_space<hbm>>
      %dma_start3A_19 = arith.constant 0 : i32
      %dma_start3A_20 = tpu.memref_slice %arg3[%add3A, %dma_start3A_19] : memref<32x10240xf32, #tpu.memory_space<hbm>> -> memref<1x10240xf32, #tpu.memory_space<hbm>>
      %dma_start3A_21 = tpu.memref_squeeze %dma_start3A_20 : memref<1x10240xf32, #tpu.memory_space<hbm>> -> memref<10240xf32, #tpu.memory_space<hbm>>
      tpu.enqueue_dma source(%arg5 : memref<10240xf32, #tpu.memory_space<vmem>>) target(%dma_start3A_21 : memref<10240xf32, #tpu.memory_space<hbm>>) target_semaphore(%run_scoped3A : memref<!tpu.dma_semaphore, #tpu.memory_space<semaphore_mem>>)
      %dma_wait3A = arith.constant 0 : i32
      %dma_wait3A_22 = tpu.memref_slice %arg3[%add3A, %dma_wait3A] : memref<32x10240xf32, #tpu.memory_space<hbm>> -> memref<1x10240xf32, #tpu.memory_space<hbm>>
      %dma_wait3A_23 = tpu.memref_squeeze %dma_wait3A_22 : memref<1x10240xf32, #tpu.memory_space<hbm>> -> memref<10240xf32, #tpu.memory_space<hbm>>
      %dma_wait3A_24 = arith.constant 0 : i32
      %dma_wait3A_25 = tpu.memref_slice %arg3[%add3A, %dma_wait3A_24] : memref<32x10240xf32, #tpu.memory_space<hbm>> -> memref<1x10240xf32, #tpu.memory_space<hbm>>
      %dma_wait3A_26 = tpu.memref_squeeze %dma_wait3A_25 : memref<1x10240xf32, #tpu.memory_space<hbm>> -> memref<10240xf32, #tpu.memory_space<hbm>>
      tpu.wait_dma2 semaphore(%run_scoped3A : memref<!tpu.dma_semaphore, #tpu.memory_space<semaphore_mem>>) src(%arg5 : memref<10240xf32, #tpu.memory_space<vmem>>) dst(%dma_wait3A_26 : memref<10240xf32, #tpu.memory_space<hbm>>)
      tpu.yield
    }) : () -> ()
    return
  }
}

#map = affine_map<(d0, d1) -> (0)>
#map1 = affine_map<(d0, d1) -> (0, 0)>
module attributes {stable_mosaic.version = 14 : i64} {
  func.func @_scat_body(%arg0: i32, %arg1: i32, %arg2: memref<320000xi32, #tpu.memory_space<hbm>>, %arg3: memref<320000xi32, #tpu.memory_space<hbm>>, %arg4: memref<10000x64xf32, #tpu.memory_space<hbm>>, %arg5: memref<10000x64xf32, #tpu.memory_space<hbm>>, %arg6: memref<10000x64xf32, #tpu.memory_space<hbm>>, %arg7: memref<10000x64xf32, #tpu.memory_space<hbm>>, %arg8: memref<10000x64xf32, #tpu.memory_space<vmem_shared>>, %arg9: memref<10000x64xf32, #tpu.memory_space<vmem_shared>>, %arg10: memref<2000xi32, #tpu.memory_space<vmem>>, %arg11: memref<2000xi32, #tpu.memory_space<vmem>>, %arg12: memref<2000xi32, #tpu.memory_space<vmem>>, %arg13: memref<2000xi32, #tpu.memory_space<vmem>>, %arg14: memref<80x64xf32, #tpu.memory_space<vmem>>, %arg15: memref<80x64xf32, #tpu.memory_space<vmem>>, %arg16: memref<!tpu.dma_semaphore, #tpu.memory_space<semaphore_mem>>, %arg17: memref<!tpu.dma_semaphore, #tpu.memory_space<semaphore_mem>>, %arg18: memref<!tpu.dma_semaphore, #tpu.memory_space<semaphore_mem>>, %arg19: memref<!tpu.dma_semaphore, #tpu.memory_space<semaphore_mem>>) attributes {dimension_semantics = [#tpu.dimension_semantics<core_parallel>, #tpu.dimension_semantics<subcore_parallel>], iteration_bounds = array<i64: 2, 16>, scalar_prefetch = 0 : i64, scratch_operands = 12 : i64, tpu.core_type = #tpu.core_type<sc_vector_subcore>, window_params = [{transform_indices = #map}, {transform_indices = #map}, {transform_indices = #map1}, {transform_indices = #map1}, {transform_indices = #map1}, {transform_indices = #map1}]} {
    %mul3A = arith.constant 625 : i32
    %mul3A_0 = arith.muli %arg1, %mul3A : i32
    %eq3A = arith.constant 0 : i32
    %eq3A_1 = arith.cmpi eq, %arg0, %eq3A : i32
    %convert_element_type3A = arith.extui %eq3A_1 : i1 to i32
    %cond3A = arith.constant 0 : i32
    %cond3A_2 = arith.cmpi ne, %convert_element_type3A, %cond3A : i32
    scf.if %cond3A_2 {
      "tpu.region"() ({
        %run_scoped3A = tpu.sem_alloc : memref<!tpu.dma_semaphore, #tpu.memory_space<semaphore_mem>>
        %dma_start3A = arith.constant 0 : i32
        %dma_start3A_26 = tpu.memref_slice %arg8[%mul3A_0, %dma_start3A] : memref<10000x64xf32, #tpu.memory_space<vmem_shared>> -> memref<625x64xf32, #tpu.memory_space<vmem_shared>>
        %dma_start3A_27 = arith.constant 0 : i32
        %dma_start3A_28 = tpu.memref_slice %arg4[%mul3A_0, %dma_start3A_27] : memref<10000x64xf32, #tpu.memory_space<hbm>> -> memref<625x64xf32, #tpu.memory_space<hbm>>
        tpu.enqueue_dma source(%dma_start3A_28 : memref<625x64xf32, #tpu.memory_space<hbm>>) target(%dma_start3A_26 : memref<625x64xf32, #tpu.memory_space<vmem_shared>>) target_semaphore(%run_scoped3A : memref<!tpu.dma_semaphore, #tpu.memory_space<semaphore_mem>>)
        %dma_wait3A = arith.constant 0 : i32
        %dma_wait3A_29 = tpu.memref_slice %arg8[%mul3A_0, %dma_wait3A] : memref<10000x64xf32, #tpu.memory_space<vmem_shared>> -> memref<625x64xf32, #tpu.memory_space<vmem_shared>>
        %dma_wait3A_30 = arith.constant 0 : i32
        %dma_wait3A_31 = tpu.memref_slice %arg4[%mul3A_0, %dma_wait3A_30] : memref<10000x64xf32, #tpu.memory_space<hbm>> -> memref<625x64xf32, #tpu.memory_space<hbm>>
        tpu.wait_dma2 semaphore(%run_scoped3A : memref<!tpu.dma_semaphore, #tpu.memory_space<semaphore_mem>>) src(%dma_wait3A_31 : memref<625x64xf32, #tpu.memory_space<hbm>>) dst(%dma_wait3A_29 : memref<625x64xf32, #tpu.memory_space<vmem_shared>>)
        tpu.yield
      }) : () -> ()
      "tpu.region"() ({
        %run_scoped3A = tpu.sem_alloc : memref<!tpu.dma_semaphore, #tpu.memory_space<semaphore_mem>>
        %dma_start3A = arith.constant 0 : i32
        %dma_start3A_26 = tpu.memref_slice %arg9[%mul3A_0, %dma_start3A] : memref<10000x64xf32, #tpu.memory_space<vmem_shared>> -> memref<625x64xf32, #tpu.memory_space<vmem_shared>>
        %dma_start3A_27 = arith.constant 0 : i32
        %dma_start3A_28 = tpu.memref_slice %arg4[%mul3A_0, %dma_start3A_27] : memref<10000x64xf32, #tpu.memory_space<hbm>> -> memref<625x64xf32, #tpu.memory_space<hbm>>
        tpu.enqueue_dma source(%dma_start3A_28 : memref<625x64xf32, #tpu.memory_space<hbm>>) target(%dma_start3A_26 : memref<625x64xf32, #tpu.memory_space<vmem_shared>>) target_semaphore(%run_scoped3A : memref<!tpu.dma_semaphore, #tpu.memory_space<semaphore_mem>>)
        %dma_wait3A = arith.constant 0 : i32
        %dma_wait3A_29 = tpu.memref_slice %arg9[%mul3A_0, %dma_wait3A] : memref<10000x64xf32, #tpu.memory_space<vmem_shared>> -> memref<625x64xf32, #tpu.memory_space<vmem_shared>>
        %dma_wait3A_30 = arith.constant 0 : i32
        %dma_wait3A_31 = tpu.memref_slice %arg4[%mul3A_0, %dma_wait3A_30] : memref<10000x64xf32, #tpu.memory_space<hbm>> -> memref<625x64xf32, #tpu.memory_space<hbm>>
        tpu.wait_dma2 semaphore(%run_scoped3A : memref<!tpu.dma_semaphore, #tpu.memory_space<semaphore_mem>>) src(%dma_wait3A_31 : memref<625x64xf32, #tpu.memory_space<hbm>>) dst(%dma_wait3A_29 : memref<625x64xf32, #tpu.memory_space<vmem_shared>>)
        tpu.yield
      }) : () -> ()
    } else {
    }
    %eq3A_3 = arith.constant 1 : i32
    %eq3A_4 = arith.cmpi eq, %arg0, %eq3A_3 : i32
    %convert_element_type3A_5 = arith.extui %eq3A_4 : i1 to i32
    %cond3A_6 = arith.constant 0 : i32
    %cond3A_7 = arith.cmpi ne, %convert_element_type3A_5, %cond3A_6 : i32
    scf.if %cond3A_7 {
      "tpu.region"() ({
        %run_scoped3A = tpu.sem_alloc : memref<!tpu.dma_semaphore, #tpu.memory_space<semaphore_mem>>
        %dma_start3A = arith.constant 0 : i32
        %dma_start3A_26 = tpu.memref_slice %arg8[%mul3A_0, %dma_start3A] : memref<10000x64xf32, #tpu.memory_space<vmem_shared>> -> memref<625x64xf32, #tpu.memory_space<vmem_shared>>
        %dma_start3A_27 = arith.constant 0 : i32
        %dma_start3A_28 = tpu.memref_slice %arg5[%mul3A_0, %dma_start3A_27] : memref<10000x64xf32, #tpu.memory_space<hbm>> -> memref<625x64xf32, #tpu.memory_space<hbm>>
        tpu.enqueue_dma source(%dma_start3A_28 : memref<625x64xf32, #tpu.memory_space<hbm>>) target(%dma_start3A_26 : memref<625x64xf32, #tpu.memory_space<vmem_shared>>) target_semaphore(%run_scoped3A : memref<!tpu.dma_semaphore, #tpu.memory_space<semaphore_mem>>)
        %dma_wait3A = arith.constant 0 : i32
        %dma_wait3A_29 = tpu.memref_slice %arg8[%mul3A_0, %dma_wait3A] : memref<10000x64xf32, #tpu.memory_space<vmem_shared>> -> memref<625x64xf32, #tpu.memory_space<vmem_shared>>
        %dma_wait3A_30 = arith.constant 0 : i32
        %dma_wait3A_31 = tpu.memref_slice %arg5[%mul3A_0, %dma_wait3A_30] : memref<10000x64xf32, #tpu.memory_space<hbm>> -> memref<625x64xf32, #tpu.memory_space<hbm>>
        tpu.wait_dma2 semaphore(%run_scoped3A : memref<!tpu.dma_semaphore, #tpu.memory_space<semaphore_mem>>) src(%dma_wait3A_31 : memref<625x64xf32, #tpu.memory_space<hbm>>) dst(%dma_wait3A_29 : memref<625x64xf32, #tpu.memory_space<vmem_shared>>)
        tpu.yield
      }) : () -> ()
      "tpu.region"() ({
        %run_scoped3A = tpu.sem_alloc : memref<!tpu.dma_semaphore, #tpu.memory_space<semaphore_mem>>
        %dma_start3A = arith.constant 0 : i32
        %dma_start3A_26 = tpu.memref_slice %arg9[%mul3A_0, %dma_start3A] : memref<10000x64xf32, #tpu.memory_space<vmem_shared>> -> memref<625x64xf32, #tpu.memory_space<vmem_shared>>
        %dma_start3A_27 = arith.constant 0 : i32
        %dma_start3A_28 = tpu.memref_slice %arg5[%mul3A_0, %dma_start3A_27] : memref<10000x64xf32, #tpu.memory_space<hbm>> -> memref<625x64xf32, #tpu.memory_space<hbm>>
        tpu.enqueue_dma source(%dma_start3A_28 : memref<625x64xf32, #tpu.memory_space<hbm>>) target(%dma_start3A_26 : memref<625x64xf32, #tpu.memory_space<vmem_shared>>) target_semaphore(%run_scoped3A : memref<!tpu.dma_semaphore, #tpu.memory_space<semaphore_mem>>)
        %dma_wait3A = arith.constant 0 : i32
        %dma_wait3A_29 = tpu.memref_slice %arg9[%mul3A_0, %dma_wait3A] : memref<10000x64xf32, #tpu.memory_space<vmem_shared>> -> memref<625x64xf32, #tpu.memory_space<vmem_shared>>
        %dma_wait3A_30 = arith.constant 0 : i32
        %dma_wait3A_31 = tpu.memref_slice %arg5[%mul3A_0, %dma_wait3A_30] : memref<10000x64xf32, #tpu.memory_space<hbm>> -> memref<625x64xf32, #tpu.memory_space<hbm>>
        tpu.wait_dma2 semaphore(%run_scoped3A : memref<!tpu.dma_semaphore, #tpu.memory_space<semaphore_mem>>) src(%dma_wait3A_31 : memref<625x64xf32, #tpu.memory_space<hbm>>) dst(%dma_wait3A_29 : memref<625x64xf32, #tpu.memory_space<vmem_shared>>)
        tpu.yield
      }) : () -> ()
    } else {
    }
    %barrier3A = arith.constant 0 : index
    tpu.barrier barrier_id(%barrier3A)
    %mul3A_8 = arith.constant 20000 : i32
    %mul3A_9 = arith.muli %arg1, %mul3A_8 : i32
    %multiple_of3A = tpu.assume_multiple %mul3A_9, 8 : i32
    "tpu.region"() ({
      %run_scoped3A = tpu.sem_alloc : memref<!tpu.dma_semaphore, #tpu.memory_space<semaphore_mem>>
      %dma_start3A = tpu.memref_slice %arg2[%multiple_of3A] : memref<320000xi32, #tpu.memory_space<hbm>> -> memref<2000xi32, #tpu.memory_space<hbm>>
      %dma_start3A_26 = tpu.memref_slice %arg2[%multiple_of3A] : memref<320000xi32, #tpu.memory_space<hbm>> -> memref<2000xi32, #tpu.memory_space<hbm>>
      tpu.enqueue_dma source(%dma_start3A_26 : memref<2000xi32, #tpu.memory_space<hbm>>) target(%arg10 : memref<2000xi32, #tpu.memory_space<vmem>>) target_semaphore(%run_scoped3A : memref<!tpu.dma_semaphore, #tpu.memory_space<semaphore_mem>>)
      %dma_wait3A = tpu.memref_slice %arg2[%multiple_of3A] : memref<320000xi32, #tpu.memory_space<hbm>> -> memref<2000xi32, #tpu.memory_space<hbm>>
      %dma_wait3A_27 = tpu.memref_slice %arg2[%multiple_of3A] : memref<320000xi32, #tpu.memory_space<hbm>> -> memref<2000xi32, #tpu.memory_space<hbm>>
      tpu.wait_dma2 semaphore(%run_scoped3A : memref<!tpu.dma_semaphore, #tpu.memory_space<semaphore_mem>>) src(%dma_wait3A_27 : memref<2000xi32, #tpu.memory_space<hbm>>) dst(%arg10 : memref<2000xi32, #tpu.memory_space<vmem>>)
      tpu.yield
    }) : () -> ()
    "tpu.region"() ({
      %run_scoped3A = tpu.sem_alloc : memref<!tpu.dma_semaphore, #tpu.memory_space<semaphore_mem>>
      %dma_start3A = tpu.memref_slice %arg3[%multiple_of3A] : memref<320000xi32, #tpu.memory_space<hbm>> -> memref<2000xi32, #tpu.memory_space<hbm>>
      %dma_start3A_26 = tpu.memref_slice %arg3[%multiple_of3A] : memref<320000xi32, #tpu.memory_space<hbm>> -> memref<2000xi32, #tpu.memory_space<hbm>>
      tpu.enqueue_dma source(%dma_start3A_26 : memref<2000xi32, #tpu.memory_space<hbm>>) target(%arg11 : memref<2000xi32, #tpu.memory_space<vmem>>) target_semaphore(%run_scoped3A : memref<!tpu.dma_semaphore, #tpu.memory_space<semaphore_mem>>)
      %dma_wait3A = tpu.memref_slice %arg3[%multiple_of3A] : memref<320000xi32, #tpu.memory_space<hbm>> -> memref<2000xi32, #tpu.memory_space<hbm>>
      %dma_wait3A_27 = tpu.memref_slice %arg3[%multiple_of3A] : memref<320000xi32, #tpu.memory_space<hbm>> -> memref<2000xi32, #tpu.memory_space<hbm>>
      tpu.wait_dma2 semaphore(%run_scoped3A : memref<!tpu.dma_semaphore, #tpu.memory_space<semaphore_mem>>) src(%dma_wait3A_27 : memref<2000xi32, #tpu.memory_space<hbm>>) dst(%arg11 : memref<2000xi32, #tpu.memory_space<vmem>>)
      tpu.yield
    }) : () -> ()
    %scan3A = arith.constant 0 : i32
    %scan3A_10 = arith.constant 0 : i32
    %scan3A_11 = arith.constant 5 : i32
    %scan3A_12 = arith.addi %scan3A_10, %scan3A_11 : i32
    %scan3A_13 = arith.constant 1 : i32
    scf.for %scan3A_26 = %scan3A_10 to %scan3A_12 step %scan3A_13  : i32 {
      %mul3A_27 = arith.constant 2 : i32
      %mul3A_28 = arith.muli %mul3A_27, %scan3A_26 : i32
      %add3A = arith.constant 1 : i32
      %add3A_29 = arith.addi %mul3A_28, %add3A : i32
      %min3A = arith.constant 9 : i32
      %min3A_30 = arith.minsi %add3A_29, %min3A : i32
      %mul3A_31 = arith.constant 2000 : i32
      %mul3A_32 = arith.muli %min3A_30, %mul3A_31 : i32
      %add3A_33 = arith.addi %mul3A_9, %mul3A_32 : i32
      %multiple_of3A_34 = tpu.assume_multiple %add3A_33, 8 : i32
      %dma_start3A = tpu.memref_slice %arg2[%multiple_of3A_34] : memref<320000xi32, #tpu.memory_space<hbm>> -> memref<2000xi32, #tpu.memory_space<hbm>>
      %dma_start3A_35 = tpu.memref_slice %arg2[%multiple_of3A_34] : memref<320000xi32, #tpu.memory_space<hbm>> -> memref<2000xi32, #tpu.memory_space<hbm>>
      tpu.enqueue_dma source(%dma_start3A_35 : memref<2000xi32, #tpu.memory_space<hbm>>) target(%arg12 : memref<2000xi32, #tpu.memory_space<vmem>>) target_semaphore(%arg18 : memref<!tpu.dma_semaphore, #tpu.memory_space<semaphore_mem>>)
      %dma_start3A_36 = tpu.memref_slice %arg3[%multiple_of3A_34] : memref<320000xi32, #tpu.memory_space<hbm>> -> memref<2000xi32, #tpu.memory_space<hbm>>
      %dma_start3A_37 = tpu.memref_slice %arg3[%multiple_of3A_34] : memref<320000xi32, #tpu.memory_space<hbm>> -> memref<2000xi32, #tpu.memory_space<hbm>>
      tpu.enqueue_dma source(%dma_start3A_37 : memref<2000xi32, #tpu.memory_space<hbm>>) target(%arg13 : memref<2000xi32, #tpu.memory_space<vmem>>) target_semaphore(%arg19 : memref<!tpu.dma_semaphore, #tpu.memory_space<semaphore_mem>>)
      %dma_start3A_38 = arith.constant 0 : i32
      %dma_start3A_39 = tpu.memref_slice %arg10[%dma_start3A_38] : memref<2000xi32, #tpu.memory_space<vmem>> -> memref<80xi32, #tpu.memory_space<vmem>>
      %dma_start3A_40 = arith.constant 0 : i32
      %dma_start3A_41 = arith.constant 0 : i32
      %dma_start3A_42 = tpu.memref_slice %arg8[%dma_start3A_40, %dma_start3A_41] : memref<10000x64xf32, #tpu.memory_space<vmem_shared>> -> memref<10000x64xf32, #tpu.memory_space<vmem_shared>>
      tpu.enqueue_indirect_dma source(%dma_start3A_42 : memref<10000x64xf32, #tpu.memory_space<vmem_shared>>) target(%arg14 : memref<80x64xf32, #tpu.memory_space<vmem>>) offsets(%dma_start3A_39 : memref<80xi32, #tpu.memory_space<vmem>>) semaphore(%arg16 : memref<!tpu.dma_semaphore, #tpu.memory_space<semaphore_mem>>)
      %scan3A_43 = arith.constant 0 : i32
      %scan3A_44 = arith.constant 0 : i32
      %scan3A_45 = arith.constant 12 : i32
      %scan3A_46 = arith.addi %scan3A_44, %scan3A_45 : i32
      %scan3A_47 = arith.constant 1 : i32
      scf.for %scan3A_101 = %scan3A_44 to %scan3A_46 step %scan3A_47  : i32 {
        %dma_wait3A_102 = arith.constant 0 : i32
        %dma_wait3A_103 = arith.constant 0 : i32
        %dma_wait3A_104 = tpu.memref_slice %arg4[%dma_wait3A_102, %dma_wait3A_103] : memref<10000x64xf32, #tpu.memory_space<hbm>> -> memref<80x64xf32, #tpu.memory_space<hbm>>
        %dma_wait3A_105 = arith.constant 0 : i32
        %dma_wait3A_106 = arith.constant 0 : i32
        %dma_wait3A_107 = tpu.memref_slice %arg4[%dma_wait3A_105, %dma_wait3A_106] : memref<10000x64xf32, #tpu.memory_space<hbm>> -> memref<80x64xf32, #tpu.memory_space<hbm>>
        tpu.wait_dma2 semaphore(%arg16 : memref<!tpu.dma_semaphore, #tpu.memory_space<semaphore_mem>>) src(%dma_wait3A_107 : memref<80x64xf32, #tpu.memory_space<hbm>>) dst(%arg14 : memref<80x64xf32, #tpu.memory_space<vmem>>)
        %mul3A_108 = arith.constant 2 : i32
        %mul3A_109 = arith.muli %mul3A_108, %scan3A_101 : i32
        %add3A_110 = arith.constant 1 : i32
        %add3A_111 = arith.addi %mul3A_109, %add3A_110 : i32
        %mul3A_112 = arith.constant 80 : i32
        %mul3A_113 = arith.muli %add3A_111, %mul3A_112 : i32
        %dma_start3A_114 = tpu.memref_slice %arg10[%mul3A_113] : memref<2000xi32, #tpu.memory_space<vmem>> -> memref<80xi32, #tpu.memory_space<vmem>>
        %dma_start3A_115 = arith.constant 0 : i32
        %dma_start3A_116 = arith.constant 0 : i32
        %dma_start3A_117 = tpu.memref_slice %arg8[%dma_start3A_115, %dma_start3A_116] : memref<10000x64xf32, #tpu.memory_space<vmem_shared>> -> memref<10000x64xf32, #tpu.memory_space<vmem_shared>>
        tpu.enqueue_indirect_dma source(%dma_start3A_117 : memref<10000x64xf32, #tpu.memory_space<vmem_shared>>) target(%arg15 : memref<80x64xf32, #tpu.memory_space<vmem>>) offsets(%dma_start3A_114 : memref<80xi32, #tpu.memory_space<vmem>>) semaphore(%arg17 : memref<!tpu.dma_semaphore, #tpu.memory_space<semaphore_mem>>)
        %mul3A_118 = arith.constant 2 : i32
        %mul3A_119 = arith.muli %mul3A_118, %scan3A_101 : i32
        %mul3A_120 = arith.constant 80 : i32
        %mul3A_121 = arith.muli %mul3A_119, %mul3A_120 : i32
        "tpu.region"() ({
          %run_scoped3A = tpu.sem_alloc : memref<!tpu.dma_semaphore, #tpu.memory_space<semaphore_mem>>
          %dma_start3A_144 = tpu.memref_slice %arg11[%mul3A_121] : memref<2000xi32, #tpu.memory_space<vmem>> -> memref<80xi32, #tpu.memory_space<vmem>>
          %dma_start3A_145 = arith.constant 0 : i32
          %dma_start3A_146 = arith.constant 0 : i32
          %dma_start3A_147 = tpu.memref_slice %arg9[%dma_start3A_145, %dma_start3A_146] : memref<10000x64xf32, #tpu.memory_space<vmem_shared>> -> memref<10000x64xf32, #tpu.memory_space<vmem_shared>>
          tpu.enqueue_indirect_dma source(%arg14 : memref<80x64xf32, #tpu.memory_space<vmem>>) target(%dma_start3A_147 : memref<10000x64xf32, #tpu.memory_space<vmem_shared>>) offsets(%dma_start3A_144 : memref<80xi32, #tpu.memory_space<vmem>>) semaphore(%run_scoped3A : memref<!tpu.dma_semaphore, #tpu.memory_space<semaphore_mem>>) {add = true}
          %dma_wait3A_148 = tpu.memref_slice %arg11[%mul3A_121] : memref<2000xi32, #tpu.memory_space<vmem>> -> memref<80xi32, #tpu.memory_space<vmem>>
          %dma_wait3A_149 = arith.constant 0 : i32
          %dma_wait3A_150 = arith.constant 0 : i32
          %dma_wait3A_151 = tpu.memref_slice %arg9[%dma_wait3A_149, %dma_wait3A_150] : memref<10000x64xf32, #tpu.memory_space<vmem_shared>> -> memref<10000x64xf32, #tpu.memory_space<vmem_shared>>
          tpu.wait_indirect_dma semaphore(%run_scoped3A : memref<!tpu.dma_semaphore, #tpu.memory_space<semaphore_mem>>) src(%arg14 : memref<80x64xf32, #tpu.memory_space<vmem>>) dst(%dma_wait3A_151 : memref<10000x64xf32, #tpu.memory_space<vmem_shared>>)
          tpu.yield
        }) : () -> ()
        %dma_wait3A_122 = arith.constant 0 : i32
        %dma_wait3A_123 = arith.constant 0 : i32
        %dma_wait3A_124 = tpu.memref_slice %arg4[%dma_wait3A_122, %dma_wait3A_123] : memref<10000x64xf32, #tpu.memory_space<hbm>> -> memref<80x64xf32, #tpu.memory_space<hbm>>
        %dma_wait3A_125 = arith.constant 0 : i32
        %dma_wait3A_126 = arith.constant 0 : i32
        %dma_wait3A_127 = tpu.memref_slice %arg4[%dma_wait3A_125, %dma_wait3A_126] : memref<10000x64xf32, #tpu.memory_space<hbm>> -> memref<80x64xf32, #tpu.memory_space<hbm>>
        tpu.wait_dma2 semaphore(%arg17 : memref<!tpu.dma_semaphore, #tpu.memory_space<semaphore_mem>>) src(%dma_wait3A_127 : memref<80x64xf32, #tpu.memory_space<hbm>>) dst(%arg15 : memref<80x64xf32, #tpu.memory_space<vmem>>)
        %mul3A_128 = arith.constant 2 : i32
        %mul3A_129 = arith.muli %mul3A_128, %scan3A_101 : i32
        %add3A_130 = arith.constant 2 : i32
        %add3A_131 = arith.addi %mul3A_129, %add3A_130 : i32
        %mul3A_132 = arith.constant 80 : i32
        %mul3A_133 = arith.muli %add3A_131, %mul3A_132 : i32
        %dma_start3A_134 = tpu.memref_slice %arg10[%mul3A_133] : memref<2000xi32, #tpu.memory_space<vmem>> -> memref<80xi32, #tpu.memory_space<vmem>>
        %dma_start3A_135 = arith.constant 0 : i32
        %dma_start3A_136 = arith.constant 0 : i32
        %dma_start3A_137 = tpu.memref_slice %arg8[%dma_start3A_135, %dma_start3A_136] : memref<10000x64xf32, #tpu.memory_space<vmem_shared>> -> memref<10000x64xf32, #tpu.memory_space<vmem_shared>>
        tpu.enqueue_indirect_dma source(%dma_start3A_137 : memref<10000x64xf32, #tpu.memory_space<vmem_shared>>) target(%arg14 : memref<80x64xf32, #tpu.memory_space<vmem>>) offsets(%dma_start3A_134 : memref<80xi32, #tpu.memory_space<vmem>>) semaphore(%arg16 : memref<!tpu.dma_semaphore, #tpu.memory_space<semaphore_mem>>)
        %mul3A_138 = arith.constant 2 : i32
        %mul3A_139 = arith.muli %mul3A_138, %scan3A_101 : i32
        %add3A_140 = arith.constant 1 : i32
        %add3A_141 = arith.addi %mul3A_139, %add3A_140 : i32
        %mul3A_142 = arith.constant 80 : i32
        %mul3A_143 = arith.muli %add3A_141, %mul3A_142 : i32
        "tpu.region"() ({
          %run_scoped3A = tpu.sem_alloc : memref<!tpu.dma_semaphore, #tpu.memory_space<semaphore_mem>>
          %dma_start3A_144 = tpu.memref_slice %arg11[%mul3A_143] : memref<2000xi32, #tpu.memory_space<vmem>> -> memref<80xi32, #tpu.memory_space<vmem>>
          %dma_start3A_145 = arith.constant 0 : i32
          %dma_start3A_146 = arith.constant 0 : i32
          %dma_start3A_147 = tpu.memref_slice %arg9[%dma_start3A_145, %dma_start3A_146] : memref<10000x64xf32, #tpu.memory_space<vmem_shared>> -> memref<10000x64xf32, #tpu.memory_space<vmem_shared>>
          tpu.enqueue_indirect_dma source(%arg15 : memref<80x64xf32, #tpu.memory_space<vmem>>) target(%dma_start3A_147 : memref<10000x64xf32, #tpu.memory_space<vmem_shared>>) offsets(%dma_start3A_144 : memref<80xi32, #tpu.memory_space<vmem>>) semaphore(%run_scoped3A : memref<!tpu.dma_semaphore, #tpu.memory_space<semaphore_mem>>) {add = true}
          %dma_wait3A_148 = tpu.memref_slice %arg11[%mul3A_143] : memref<2000xi32, #tpu.memory_space<vmem>> -> memref<80xi32, #tpu.memory_space<vmem>>
          %dma_wait3A_149 = arith.constant 0 : i32
          %dma_wait3A_150 = arith.constant 0 : i32
          %dma_wait3A_151 = tpu.memref_slice %arg9[%dma_wait3A_149, %dma_wait3A_150] : memref<10000x64xf32, #tpu.memory_space<vmem_shared>> -> memref<10000x64xf32, #tpu.memory_space<vmem_shared>>
          tpu.wait_indirect_dma semaphore(%run_scoped3A : memref<!tpu.dma_semaphore, #tpu.memory_space<semaphore_mem>>) src(%arg15 : memref<80x64xf32, #tpu.memory_space<vmem>>) dst(%dma_wait3A_151 : memref<10000x64xf32, #tpu.memory_space<vmem_shared>>)
          tpu.yield
        }) : () -> ()
      }
      %scan3A_48 = arith.constant 12 : i32
      %dma_wait3A = arith.constant 0 : i32
      %dma_wait3A_49 = arith.constant 0 : i32
      %dma_wait3A_50 = tpu.memref_slice %arg4[%dma_wait3A, %dma_wait3A_49] : memref<10000x64xf32, #tpu.memory_space<hbm>> -> memref<80x64xf32, #tpu.memory_space<hbm>>
      %dma_wait3A_51 = arith.constant 0 : i32
      %dma_wait3A_52 = arith.constant 0 : i32
      %dma_wait3A_53 = tpu.memref_slice %arg4[%dma_wait3A_51, %dma_wait3A_52] : memref<10000x64xf32, #tpu.memory_space<hbm>> -> memref<80x64xf32, #tpu.memory_space<hbm>>
      tpu.wait_dma2 semaphore(%arg16 : memref<!tpu.dma_semaphore, #tpu.memory_space<semaphore_mem>>) src(%dma_wait3A_53 : memref<80x64xf32, #tpu.memory_space<hbm>>) dst(%arg14 : memref<80x64xf32, #tpu.memory_space<vmem>>)
      "tpu.region"() ({
        %run_scoped3A = tpu.sem_alloc : memref<!tpu.dma_semaphore, #tpu.memory_space<semaphore_mem>>
        %dma_start3A_101 = arith.constant 1920 : i32
        %dma_start3A_102 = tpu.memref_slice %arg11[%dma_start3A_101] : memref<2000xi32, #tpu.memory_space<vmem>> -> memref<80xi32, #tpu.memory_space<vmem>>
        %dma_start3A_103 = arith.constant 0 : i32
        %dma_start3A_104 = arith.constant 0 : i32
        %dma_start3A_105 = tpu.memref_slice %arg9[%dma_start3A_103, %dma_start3A_104] : memref<10000x64xf32, #tpu.memory_space<vmem_shared>> -> memref<10000x64xf32, #tpu.memory_space<vmem_shared>>
        tpu.enqueue_indirect_dma source(%arg14 : memref<80x64xf32, #tpu.memory_space<vmem>>) target(%dma_start3A_105 : memref<10000x64xf32, #tpu.memory_space<vmem_shared>>) offsets(%dma_start3A_102 : memref<80xi32, #tpu.memory_space<vmem>>) semaphore(%run_scoped3A : memref<!tpu.dma_semaphore, #tpu.memory_space<semaphore_mem>>) {add = true}
        %dma_wait3A_106 = arith.constant 1920 : i32
        %dma_wait3A_107 = tpu.memref_slice %arg11[%dma_wait3A_106] : memref<2000xi32, #tpu.memory_space<vmem>> -> memref<80xi32, #tpu.memory_space<vmem>>
        %dma_wait3A_108 = arith.constant 0 : i32
        %dma_wait3A_109 = arith.constant 0 : i32
        %dma_wait3A_110 = tpu.memref_slice %arg9[%dma_wait3A_108, %dma_wait3A_109] : memref<10000x64xf32, #tpu.memory_space<vmem_shared>> -> memref<10000x64xf32, #tpu.memory_space<vmem_shared>>
        tpu.wait_indirect_dma semaphore(%run_scoped3A : memref<!tpu.dma_semaphore, #tpu.memory_space<semaphore_mem>>) src(%arg14 : memref<80x64xf32, #tpu.memory_space<vmem>>) dst(%dma_wait3A_110 : memref<10000x64xf32, #tpu.memory_space<vmem_shared>>)
        tpu.yield
      }) : () -> ()
      %dma_wait3A_54 = arith.constant 0 : i32
      %dma_wait3A_55 = tpu.memref_slice %arg2[%dma_wait3A_54] : memref<320000xi32, #tpu.memory_space<hbm>> -> memref<2000xi32, #tpu.memory_space<hbm>>
      %dma_wait3A_56 = arith.constant 0 : i32
      %dma_wait3A_57 = tpu.memref_slice %arg2[%dma_wait3A_56] : memref<320000xi32, #tpu.memory_space<hbm>> -> memref<2000xi32, #tpu.memory_space<hbm>>
      tpu.wait_dma2 semaphore(%arg18 : memref<!tpu.dma_semaphore, #tpu.memory_space<semaphore_mem>>) src(%dma_wait3A_57 : memref<2000xi32, #tpu.memory_space<hbm>>) dst(%arg12 : memref<2000xi32, #tpu.memory_space<vmem>>)
      %dma_wait3A_58 = arith.constant 0 : i32
      %dma_wait3A_59 = tpu.memref_slice %arg3[%dma_wait3A_58] : memref<320000xi32, #tpu.memory_space<hbm>> -> memref<2000xi32, #tpu.memory_space<hbm>>
      %dma_wait3A_60 = arith.constant 0 : i32
      %dma_wait3A_61 = tpu.memref_slice %arg3[%dma_wait3A_60] : memref<320000xi32, #tpu.memory_space<hbm>> -> memref<2000xi32, #tpu.memory_space<hbm>>
      tpu.wait_dma2 semaphore(%arg19 : memref<!tpu.dma_semaphore, #tpu.memory_space<semaphore_mem>>) src(%dma_wait3A_61 : memref<2000xi32, #tpu.memory_space<hbm>>) dst(%arg13 : memref<2000xi32, #tpu.memory_space<vmem>>)
      %mul3A_62 = arith.constant 2 : i32
      %mul3A_63 = arith.muli %mul3A_62, %scan3A_26 : i32
      %add3A_64 = arith.constant 2 : i32
      %add3A_65 = arith.addi %mul3A_63, %add3A_64 : i32
      %min3A_66 = arith.constant 9 : i32
      %min3A_67 = arith.minsi %add3A_65, %min3A_66 : i32
      %mul3A_68 = arith.constant 2000 : i32
      %mul3A_69 = arith.muli %min3A_67, %mul3A_68 : i32
      %add3A_70 = arith.addi %mul3A_9, %mul3A_69 : i32
      %multiple_of3A_71 = tpu.assume_multiple %add3A_70, 8 : i32
      %dma_start3A_72 = tpu.memref_slice %arg2[%multiple_of3A_71] : memref<320000xi32, #tpu.memory_space<hbm>> -> memref<2000xi32, #tpu.memory_space<hbm>>
      %dma_start3A_73 = tpu.memref_slice %arg2[%multiple_of3A_71] : memref<320000xi32, #tpu.memory_space<hbm>> -> memref<2000xi32, #tpu.memory_space<hbm>>
      tpu.enqueue_dma source(%dma_start3A_73 : memref<2000xi32, #tpu.memory_space<hbm>>) target(%arg10 : memref<2000xi32, #tpu.memory_space<vmem>>) target_semaphore(%arg18 : memref<!tpu.dma_semaphore, #tpu.memory_space<semaphore_mem>>)
      %dma_start3A_74 = tpu.memref_slice %arg3[%multiple_of3A_71] : memref<320000xi32, #tpu.memory_space<hbm>> -> memref<2000xi32, #tpu.memory_space<hbm>>
      %dma_start3A_75 = tpu.memref_slice %arg3[%multiple_of3A_71] : memref<320000xi32, #tpu.memory_space<hbm>> -> memref<2000xi32, #tpu.memory_space<hbm>>
      tpu.enqueue_dma source(%dma_start3A_75 : memref<2000xi32, #tpu.memory_space<hbm>>) target(%arg11 : memref<2000xi32, #tpu.memory_space<vmem>>) target_semaphore(%arg19 : memref<!tpu.dma_semaphore, #tpu.memory_space<semaphore_mem>>)
      %dma_start3A_76 = arith.constant 0 : i32
      %dma_start3A_77 = tpu.memref_slice %arg12[%dma_start3A_76] : memref<2000xi32, #tpu.memory_space<vmem>> -> memref<80xi32, #tpu.memory_space<vmem>>
      %dma_start3A_78 = arith.constant 0 : i32
      %dma_start3A_79 = arith.constant 0 : i32
      %dma_start3A_80 = tpu.memref_slice %arg8[%dma_start3A_78, %dma_start3A_79] : memref<10000x64xf32, #tpu.memory_space<vmem_shared>> -> memref<10000x64xf32, #tpu.memory_space<vmem_shared>>
      tpu.enqueue_indirect_dma source(%dma_start3A_80 : memref<10000x64xf32, #tpu.memory_space<vmem_shared>>) target(%arg14 : memref<80x64xf32, #tpu.memory_space<vmem>>) offsets(%dma_start3A_77 : memref<80xi32, #tpu.memory_space<vmem>>) semaphore(%arg16 : memref<!tpu.dma_semaphore, #tpu.memory_space<semaphore_mem>>)
      %scan3A_81 = arith.constant 0 : i32
      %scan3A_82 = arith.constant 0 : i32
      %scan3A_83 = arith.constant 12 : i32
      %scan3A_84 = arith.addi %scan3A_82, %scan3A_83 : i32
      %scan3A_85 = arith.constant 1 : i32
      scf.for %scan3A_101 = %scan3A_82 to %scan3A_84 step %scan3A_85  : i32 {
        %dma_wait3A_102 = arith.constant 0 : i32
        %dma_wait3A_103 = arith.constant 0 : i32
        %dma_wait3A_104 = tpu.memref_slice %arg4[%dma_wait3A_102, %dma_wait3A_103] : memref<10000x64xf32, #tpu.memory_space<hbm>> -> memref<80x64xf32, #tpu.memory_space<hbm>>
        %dma_wait3A_105 = arith.constant 0 : i32
        %dma_wait3A_106 = arith.constant 0 : i32
        %dma_wait3A_107 = tpu.memref_slice %arg4[%dma_wait3A_105, %dma_wait3A_106] : memref<10000x64xf32, #tpu.memory_space<hbm>> -> memref<80x64xf32, #tpu.memory_space<hbm>>
        tpu.wait_dma2 semaphore(%arg16 : memref<!tpu.dma_semaphore, #tpu.memory_space<semaphore_mem>>) src(%dma_wait3A_107 : memref<80x64xf32, #tpu.memory_space<hbm>>) dst(%arg14 : memref<80x64xf32, #tpu.memory_space<vmem>>)
        %mul3A_108 = arith.constant 2 : i32
        %mul3A_109 = arith.muli %mul3A_108, %scan3A_101 : i32
        %add3A_110 = arith.constant 1 : i32
        %add3A_111 = arith.addi %mul3A_109, %add3A_110 : i32
        %mul3A_112 = arith.constant 80 : i32
        %mul3A_113 = arith.muli %add3A_111, %mul3A_112 : i32
        %dma_start3A_114 = tpu.memref_slice %arg12[%mul3A_113] : memref<2000xi32, #tpu.memory_space<vmem>> -> memref<80xi32, #tpu.memory_space<vmem>>
        %dma_start3A_115 = arith.constant 0 : i32
        %dma_start3A_116 = arith.constant 0 : i32
        %dma_start3A_117 = tpu.memref_slice %arg8[%dma_start3A_115, %dma_start3A_116] : memref<10000x64xf32, #tpu.memory_space<vmem_shared>> -> memref<10000x64xf32, #tpu.memory_space<vmem_shared>>
        tpu.enqueue_indirect_dma source(%dma_start3A_117 : memref<10000x64xf32, #tpu.memory_space<vmem_shared>>) target(%arg15 : memref<80x64xf32, #tpu.memory_space<vmem>>) offsets(%dma_start3A_114 : memref<80xi32, #tpu.memory_space<vmem>>) semaphore(%arg17 : memref<!tpu.dma_semaphore, #tpu.memory_space<semaphore_mem>>)
        %mul3A_118 = arith.constant 2 : i32
        %mul3A_119 = arith.muli %mul3A_118, %scan3A_101 : i32
        %mul3A_120 = arith.constant 80 : i32
        %mul3A_121 = arith.muli %mul3A_119, %mul3A_120 : i32
        "tpu.region"() ({
          %run_scoped3A = tpu.sem_alloc : memref<!tpu.dma_semaphore, #tpu.memory_space<semaphore_mem>>
          %dma_start3A_144 = tpu.memref_slice %arg13[%mul3A_121] : memref<2000xi32, #tpu.memory_space<vmem>> -> memref<80xi32, #tpu.memory_space<vmem>>
          %dma_start3A_145 = arith.constant 0 : i32
          %dma_start3A_146 = arith.constant 0 : i32
          %dma_start3A_147 = tpu.memref_slice %arg9[%dma_start3A_145, %dma_start3A_146] : memref<10000x64xf32, #tpu.memory_space<vmem_shared>> -> memref<10000x64xf32, #tpu.memory_space<vmem_shared>>
          tpu.enqueue_indirect_dma source(%arg14 : memref<80x64xf32, #tpu.memory_space<vmem>>) target(%dma_start3A_147 : memref<10000x64xf32, #tpu.memory_space<vmem_shared>>) offsets(%dma_start3A_144 : memref<80xi32, #tpu.memory_space<vmem>>) semaphore(%run_scoped3A : memref<!tpu.dma_semaphore, #tpu.memory_space<semaphore_mem>>) {add = true}
          %dma_wait3A_148 = tpu.memref_slice %arg13[%mul3A_121] : memref<2000xi32, #tpu.memory_space<vmem>> -> memref<80xi32, #tpu.memory_space<vmem>>
          %dma_wait3A_149 = arith.constant 0 : i32
          %dma_wait3A_150 = arith.constant 0 : i32
          %dma_wait3A_151 = tpu.memref_slice %arg9[%dma_wait3A_149, %dma_wait3A_150] : memref<10000x64xf32, #tpu.memory_space<vmem_shared>> -> memref<10000x64xf32, #tpu.memory_space<vmem_shared>>
          tpu.wait_indirect_dma semaphore(%run_scoped3A : memref<!tpu.dma_semaphore, #tpu.memory_space<semaphore_mem>>) src(%arg14 : memref<80x64xf32, #tpu.memory_space<vmem>>) dst(%dma_wait3A_151 : memref<10000x64xf32, #tpu.memory_space<vmem_shared>>)
          tpu.yield
        }) : () -> ()
        %dma_wait3A_122 = arith.constant 0 : i32
        %dma_wait3A_123 = arith.constant 0 : i32
        %dma_wait3A_124 = tpu.memref_slice %arg4[%dma_wait3A_122, %dma_wait3A_123] : memref<10000x64xf32, #tpu.memory_space<hbm>> -> memref<80x64xf32, #tpu.memory_space<hbm>>
        %dma_wait3A_125 = arith.constant 0 : i32
        %dma_wait3A_126 = arith.constant 0 : i32
        %dma_wait3A_127 = tpu.memref_slice %arg4[%dma_wait3A_125, %dma_wait3A_126] : memref<10000x64xf32, #tpu.memory_space<hbm>> -> memref<80x64xf32, #tpu.memory_space<hbm>>
        tpu.wait_dma2 semaphore(%arg17 : memref<!tpu.dma_semaphore, #tpu.memory_space<semaphore_mem>>) src(%dma_wait3A_127 : memref<80x64xf32, #tpu.memory_space<hbm>>) dst(%arg15 : memref<80x64xf32, #tpu.memory_space<vmem>>)
        %mul3A_128 = arith.constant 2 : i32
        %mul3A_129 = arith.muli %mul3A_128, %scan3A_101 : i32
        %add3A_130 = arith.constant 2 : i32
        %add3A_131 = arith.addi %mul3A_129, %add3A_130 : i32
        %mul3A_132 = arith.constant 80 : i32
        %mul3A_133 = arith.muli %add3A_131, %mul3A_132 : i32
        %dma_start3A_134 = tpu.memref_slice %arg12[%mul3A_133] : memref<2000xi32, #tpu.memory_space<vmem>> -> memref<80xi32, #tpu.memory_space<vmem>>
        %dma_start3A_135 = arith.constant 0 : i32
        %dma_start3A_136 = arith.constant 0 : i32
        %dma_start3A_137 = tpu.memref_slice %arg8[%dma_start3A_135, %dma_start3A_136] : memref<10000x64xf32, #tpu.memory_space<vmem_shared>> -> memref<10000x64xf32, #tpu.memory_space<vmem_shared>>
        tpu.enqueue_indirect_dma source(%dma_start3A_137 : memref<10000x64xf32, #tpu.memory_space<vmem_shared>>) target(%arg14 : memref<80x64xf32, #tpu.memory_space<vmem>>) offsets(%dma_start3A_134 : memref<80xi32, #tpu.memory_space<vmem>>) semaphore(%arg16 : memref<!tpu.dma_semaphore, #tpu.memory_space<semaphore_mem>>)
        %mul3A_138 = arith.constant 2 : i32
        %mul3A_139 = arith.muli %mul3A_138, %scan3A_101 : i32
        %add3A_140 = arith.constant 1 : i32
        %add3A_141 = arith.addi %mul3A_139, %add3A_140 : i32
        %mul3A_142 = arith.constant 80 : i32
        %mul3A_143 = arith.muli %add3A_141, %mul3A_142 : i32
        "tpu.region"() ({
          %run_scoped3A = tpu.sem_alloc : memref<!tpu.dma_semaphore, #tpu.memory_space<semaphore_mem>>
          %dma_start3A_144 = tpu.memref_slice %arg13[%mul3A_143] : memref<2000xi32, #tpu.memory_space<vmem>> -> memref<80xi32, #tpu.memory_space<vmem>>
          %dma_start3A_145 = arith.constant 0 : i32
          %dma_start3A_146 = arith.constant 0 : i32
          %dma_start3A_147 = tpu.memref_slice %arg9[%dma_start3A_145, %dma_start3A_146] : memref<10000x64xf32, #tpu.memory_space<vmem_shared>> -> memref<10000x64xf32, #tpu.memory_space<vmem_shared>>
          tpu.enqueue_indirect_dma source(%arg15 : memref<80x64xf32, #tpu.memory_space<vmem>>) target(%dma_start3A_147 : memref<10000x64xf32, #tpu.memory_space<vmem_shared>>) offsets(%dma_start3A_144 : memref<80xi32, #tpu.memory_space<vmem>>) semaphore(%run_scoped3A : memref<!tpu.dma_semaphore, #tpu.memory_space<semaphore_mem>>) {add = true}
          %dma_wait3A_148 = tpu.memref_slice %arg13[%mul3A_143] : memref<2000xi32, #tpu.memory_space<vmem>> -> memref<80xi32, #tpu.memory_space<vmem>>
          %dma_wait3A_149 = arith.constant 0 : i32
          %dma_wait3A_150 = arith.constant 0 : i32
          %dma_wait3A_151 = tpu.memref_slice %arg9[%dma_wait3A_149, %dma_wait3A_150] : memref<10000x64xf32, #tpu.memory_space<vmem_shared>> -> memref<10000x64xf32, #tpu.memory_space<vmem_shared>>
          tpu.wait_indirect_dma semaphore(%run_scoped3A : memref<!tpu.dma_semaphore, #tpu.memory_space<semaphore_mem>>) src(%arg15 : memref<80x64xf32, #tpu.memory_space<vmem>>) dst(%dma_wait3A_151 : memref<10000x64xf32, #tpu.memory_space<vmem_shared>>)
          tpu.yield
        }) : () -> ()
      }
      %scan3A_86 = arith.constant 12 : i32
      %dma_wait3A_87 = arith.constant 0 : i32
      %dma_wait3A_88 = arith.constant 0 : i32
      %dma_wait3A_89 = tpu.memref_slice %arg4[%dma_wait3A_87, %dma_wait3A_88] : memref<10000x64xf32, #tpu.memory_space<hbm>> -> memref<80x64xf32, #tpu.memory_space<hbm>>
      %dma_wait3A_90 = arith.constant 0 : i32
      %dma_wait3A_91 = arith.constant 0 : i32
      %dma_wait3A_92 = tpu.memref_slice %arg4[%dma_wait3A_90, %dma_wait3A_91] : memref<10000x64xf32, #tpu.memory_space<hbm>> -> memref<80x64xf32, #tpu.memory_space<hbm>>
      tpu.wait_dma2 semaphore(%arg16 : memref<!tpu.dma_semaphore, #tpu.memory_space<semaphore_mem>>) src(%dma_wait3A_92 : memref<80x64xf32, #tpu.memory_space<hbm>>) dst(%arg14 : memref<80x64xf32, #tpu.memory_space<vmem>>)
      "tpu.region"() ({
        %run_scoped3A = tpu.sem_alloc : memref<!tpu.dma_semaphore, #tpu.memory_space<semaphore_mem>>
        %dma_start3A_101 = arith.constant 1920 : i32
        %dma_start3A_102 = tpu.memref_slice %arg13[%dma_start3A_101] : memref<2000xi32, #tpu.memory_space<vmem>> -> memref<80xi32, #tpu.memory_space<vmem>>
        %dma_start3A_103 = arith.constant 0 : i32
        %dma_start3A_104 = arith.constant 0 : i32
        %dma_start3A_105 = tpu.memref_slice %arg9[%dma_start3A_103, %dma_start3A_104] : memref<10000x64xf32, #tpu.memory_space<vmem_shared>> -> memref<10000x64xf32, #tpu.memory_space<vmem_shared>>
        tpu.enqueue_indirect_dma source(%arg14 : memref<80x64xf32, #tpu.memory_space<vmem>>) target(%dma_start3A_105 : memref<10000x64xf32, #tpu.memory_space<vmem_shared>>) offsets(%dma_start3A_102 : memref<80xi32, #tpu.memory_space<vmem>>) semaphore(%run_scoped3A : memref<!tpu.dma_semaphore, #tpu.memory_space<semaphore_mem>>) {add = true}
        %dma_wait3A_106 = arith.constant 1920 : i32
        %dma_wait3A_107 = tpu.memref_slice %arg13[%dma_wait3A_106] : memref<2000xi32, #tpu.memory_space<vmem>> -> memref<80xi32, #tpu.memory_space<vmem>>
        %dma_wait3A_108 = arith.constant 0 : i32
        %dma_wait3A_109 = arith.constant 0 : i32
        %dma_wait3A_110 = tpu.memref_slice %arg9[%dma_wait3A_108, %dma_wait3A_109] : memref<10000x64xf32, #tpu.memory_space<vmem_shared>> -> memref<10000x64xf32, #tpu.memory_space<vmem_shared>>
        tpu.wait_indirect_dma semaphore(%run_scoped3A : memref<!tpu.dma_semaphore, #tpu.memory_space<semaphore_mem>>) src(%arg14 : memref<80x64xf32, #tpu.memory_space<vmem>>) dst(%dma_wait3A_110 : memref<10000x64xf32, #tpu.memory_space<vmem_shared>>)
        tpu.yield
      }) : () -> ()
      %dma_wait3A_93 = arith.constant 0 : i32
      %dma_wait3A_94 = tpu.memref_slice %arg2[%dma_wait3A_93] : memref<320000xi32, #tpu.memory_space<hbm>> -> memref<2000xi32, #tpu.memory_space<hbm>>
      %dma_wait3A_95 = arith.constant 0 : i32
      %dma_wait3A_96 = tpu.memref_slice %arg2[%dma_wait3A_95] : memref<320000xi32, #tpu.memory_space<hbm>> -> memref<2000xi32, #tpu.memory_space<hbm>>
      tpu.wait_dma2 semaphore(%arg18 : memref<!tpu.dma_semaphore, #tpu.memory_space<semaphore_mem>>) src(%dma_wait3A_96 : memref<2000xi32, #tpu.memory_space<hbm>>) dst(%arg10 : memref<2000xi32, #tpu.memory_space<vmem>>)
      %dma_wait3A_97 = arith.constant 0 : i32
      %dma_wait3A_98 = tpu.memref_slice %arg3[%dma_wait3A_97] : memref<320000xi32, #tpu.memory_space<hbm>> -> memref<2000xi32, #tpu.memory_space<hbm>>
      %dma_wait3A_99 = arith.constant 0 : i32
      %dma_wait3A_100 = tpu.memref_slice %arg3[%dma_wait3A_99] : memref<320000xi32, #tpu.memory_space<hbm>> -> memref<2000xi32, #tpu.memory_space<hbm>>
      tpu.wait_dma2 semaphore(%arg19 : memref<!tpu.dma_semaphore, #tpu.memory_space<semaphore_mem>>) src(%dma_wait3A_100 : memref<2000xi32, #tpu.memory_space<hbm>>) dst(%arg11 : memref<2000xi32, #tpu.memory_space<vmem>>)
    }
    %scan3A_14 = arith.constant 5 : i32
    %barrier3A_15 = arith.constant 0 : index
    tpu.barrier barrier_id(%barrier3A_15)
    %eq3A_16 = arith.constant 0 : i32
    %eq3A_17 = arith.cmpi eq, %arg0, %eq3A_16 : i32
    %convert_element_type3A_18 = arith.extui %eq3A_17 : i1 to i32
    %cond3A_19 = arith.constant 0 : i32
    %cond3A_20 = arith.cmpi ne, %convert_element_type3A_18, %cond3A_19 : i32
    scf.if %cond3A_20 {
      "tpu.region"() ({
        %run_scoped3A = tpu.sem_alloc : memref<!tpu.dma_semaphore, #tpu.memory_space<semaphore_mem>>
        %dma_start3A = arith.constant 0 : i32
        %dma_start3A_26 = tpu.memref_slice %arg6[%mul3A_0, %dma_start3A] : memref<10000x64xf32, #tpu.memory_space<hbm>> -> memref<625x64xf32, #tpu.memory_space<hbm>>
        %dma_start3A_27 = arith.constant 0 : i32
        %dma_start3A_28 = tpu.memref_slice %arg9[%mul3A_0, %dma_start3A_27] : memref<10000x64xf32, #tpu.memory_space<vmem_shared>> -> memref<625x64xf32, #tpu.memory_space<vmem_shared>>
        tpu.enqueue_dma source(%dma_start3A_28 : memref<625x64xf32, #tpu.memory_space<vmem_shared>>) target(%dma_start3A_26 : memref<625x64xf32, #tpu.memory_space<hbm>>) target_semaphore(%run_scoped3A : memref<!tpu.dma_semaphore, #tpu.memory_space<semaphore_mem>>)
        %dma_wait3A = arith.constant 0 : i32
        %dma_wait3A_29 = tpu.memref_slice %arg6[%mul3A_0, %dma_wait3A] : memref<10000x64xf32, #tpu.memory_space<hbm>> -> memref<625x64xf32, #tpu.memory_space<hbm>>
        %dma_wait3A_30 = arith.constant 0 : i32
        %dma_wait3A_31 = tpu.memref_slice %arg9[%mul3A_0, %dma_wait3A_30] : memref<10000x64xf32, #tpu.memory_space<vmem_shared>> -> memref<625x64xf32, #tpu.memory_space<vmem_shared>>
        tpu.wait_dma2 semaphore(%run_scoped3A : memref<!tpu.dma_semaphore, #tpu.memory_space<semaphore_mem>>) src(%dma_wait3A_31 : memref<625x64xf32, #tpu.memory_space<vmem_shared>>) dst(%dma_wait3A_29 : memref<625x64xf32, #tpu.memory_space<hbm>>)
        tpu.yield
      }) : () -> ()
    } else {
    }
    %eq3A_21 = arith.constant 1 : i32
    %eq3A_22 = arith.cmpi eq, %arg0, %eq3A_21 : i32
    %convert_element_type3A_23 = arith.extui %eq3A_22 : i1 to i32
    %cond3A_24 = arith.constant 0 : i32
    %cond3A_25 = arith.cmpi ne, %convert_element_type3A_23, %cond3A_24 : i32
    scf.if %cond3A_25 {
      "tpu.region"() ({
        %run_scoped3A = tpu.sem_alloc : memref<!tpu.dma_semaphore, #tpu.memory_space<semaphore_mem>>
        %dma_start3A = arith.constant 0 : i32
        %dma_start3A_26 = tpu.memref_slice %arg7[%mul3A_0, %dma_start3A] : memref<10000x64xf32, #tpu.memory_space<hbm>> -> memref<625x64xf32, #tpu.memory_space<hbm>>
        %dma_start3A_27 = arith.constant 0 : i32
        %dma_start3A_28 = tpu.memref_slice %arg9[%mul3A_0, %dma_start3A_27] : memref<10000x64xf32, #tpu.memory_space<vmem_shared>> -> memref<625x64xf32, #tpu.memory_space<vmem_shared>>
        tpu.enqueue_dma source(%dma_start3A_28 : memref<625x64xf32, #tpu.memory_space<vmem_shared>>) target(%dma_start3A_26 : memref<625x64xf32, #tpu.memory_space<hbm>>) target_semaphore(%run_scoped3A : memref<!tpu.dma_semaphore, #tpu.memory_space<semaphore_mem>>)
        %dma_wait3A = arith.constant 0 : i32
        %dma_wait3A_29 = tpu.memref_slice %arg7[%mul3A_0, %dma_wait3A] : memref<10000x64xf32, #tpu.memory_space<hbm>> -> memref<625x64xf32, #tpu.memory_space<hbm>>
        %dma_wait3A_30 = arith.constant 0 : i32
        %dma_wait3A_31 = tpu.memref_slice %arg9[%mul3A_0, %dma_wait3A_30] : memref<10000x64xf32, #tpu.memory_space<vmem_shared>> -> memref<625x64xf32, #tpu.memory_space<vmem_shared>>
        tpu.wait_dma2 semaphore(%run_scoped3A : memref<!tpu.dma_semaphore, #tpu.memory_space<semaphore_mem>>) src(%dma_wait3A_31 : memref<625x64xf32, #tpu.memory_space<vmem_shared>>) dst(%dma_wait3A_29 : memref<625x64xf32, #tpu.memory_space<hbm>>)
        tpu.yield
      }) : () -> ()
    } else {
    }
    return
  }
}

module attributes {stable_mosaic.version = 14 : i64} {
  func.func @_scale_body(%arg0: i32, %arg1: memref<32x10240xf32, #tpu.memory_space<vmem>>, %arg2: memref<1024x128xf32, #tpu.memory_space<vmem>>, %arg3: memref<128x128xf32, #tpu.memory_space<vmem>>, %arg4: memref<1024x64xf32, #tpu.memory_space<vmem>>, %arg5: memref<1024x64xf32, #tpu.memory_space<vmem>>, %arg6: memref<1024x1xf32, #tpu.memory_space<vmem>>) attributes {dimension_semantics = [#tpu.dimension_semantics<arbitrary>], iteration_bounds = array<i64: 10>, scalar_prefetch = 0 : i64, scratch_operands = 0 : i64, tpu.core_type = #tpu.core_type<tc>, window_params = [{pipeline_mode = #tpu.pipeline_mode<synchronous>, transform_indices = @transform_0, window_bounds = array<i64: 32, 10240>}, {transform_indices = @transform_1, window_bounds = array<i64: 1024, 128>}, {pipeline_mode = #tpu.pipeline_mode<synchronous>, transform_indices = @transform_2, window_bounds = array<i64: 128, 128>}, {transform_indices = @transform_3, window_bounds = array<i64: 1024, 64>}, {transform_indices = @transform_4, window_bounds = array<i64: 1024, 64>}, {transform_indices = @transform_5, window_bounds = array<i64: 1024, 1>}]} {
    %mul3A = arith.constant 1024 : i32
    %mul3A_0 = arith.muli %arg0, %mul3A : i32
    %get3A = arith.constant 0 : index
    %get3A_1 = arith.index_cast %mul3A_0 : i32 to index
    %get3A_2 = vector.load %arg1[%get3A, %get3A_1] : memref<32x10240xf32, #tpu.memory_space<vmem>>, vector<32x1024xf32>
    %reduce_sum3A = arith.constant dense<0.000000e+00> : vector<1024xf32>
    %reduce_sum3A_3 = vector.multi_reduction <add>, %get3A_2, %reduce_sum3A [0] : vector<32x1024xf32> to vector<1024xf32>
    %add3A = arith.constant 1.000000e+00 : f32
    %add3A_4 = vector.broadcast %add3A : f32 to vector<1024xf32>
    %add3A_5 = arith.addf %reduce_sum3A_3, %add3A_4 : vector<1024xf32>
    %rsqrt3A = math.rsqrt %add3A_5 : vector<1024xf32>
    %broadcast_in_dim3A = vector.shape_cast %rsqrt3A : vector<1024xf32> to vector<1024x1xf32>
    %swap3A = arith.constant 0 : index
    %swap3A_6 = arith.constant 0 : index
    %swap3A_7 = vector.load %arg6[%swap3A, %swap3A_6] : memref<1024x1xf32, #tpu.memory_space<vmem>>, vector<1024x1xf32>
    tpu.vector_store %arg6[%swap3A, %swap3A_6], %broadcast_in_dim3A {strides = array<i32>} : memref<1024x1xf32, #tpu.memory_space<vmem>>, vector<1024x1xf32>,
    %get3A_8 = arith.constant 0 : index
    %get3A_9 = arith.constant 0 : index
    %get3A_10 = vector.load %arg2[%get3A_8, %get3A_9] : memref<1024x128xf32, #tpu.memory_space<vmem>>, vector<1024x128xf32>
    %get3A_11 = arith.constant 0 : index
    %get3A_12 = arith.constant 0 : index
    %get3A_13 = vector.load %arg3[%get3A_11, %get3A_12] : memref<128x128xf32, #tpu.memory_space<vmem>>, vector<128x128xf32>
    %dot_general3A = arith.constant dense<0.000000e+00> : vector<1024x128xf32>
    %dot_general3A_14 = tpu.matmul %get3A_10, %get3A_13, %dot_general3A {dimension_numbers = #tpu.dot_dimension_numbers<[1], [1], [0], [0], [0, 0, 1, 0], [], []>, transpose_lhs_hint = false} : vector<1024x128xf32>, vector<128x128xf32>, vector<1024x128xf32> -> vector<1024x128xf32>
    %mul3A_15 = vector.broadcast %broadcast_in_dim3A : vector<1024x1xf32> to vector<1024x128xf32>
    %mul3A_16 = arith.mulf %dot_general3A_14, %mul3A_15 : vector<1024x128xf32>
    %slice3A = vector.extract_strided_slice %mul3A_16 {offsets = [0, 0], sizes = [1024, 64], strides = [1, 1]} : vector<1024x128xf32> to vector<1024x64xf32>
    %swap3A_17 = arith.constant 0 : index
    %swap3A_18 = arith.constant 0 : index
    %swap3A_19 = vector.load %arg4[%swap3A_17, %swap3A_18] : memref<1024x64xf32, #tpu.memory_space<vmem>>, vector<1024x64xf32>
    tpu.vector_store %arg4[%swap3A_17, %swap3A_18], %slice3A {strides = array<i32>} : memref<1024x64xf32, #tpu.memory_space<vmem>>, vector<1024x64xf32>,
    %slice3A_20 = vector.extract_strided_slice %mul3A_16 {offsets = [0, 64], sizes = [1024, 64], strides = [1, 1]} : vector<1024x128xf32> to vector<1024x64xf32>
    %swap3A_21 = arith.constant 0 : index
    %swap3A_22 = arith.constant 0 : index
    %swap3A_23 = vector.load %arg5[%swap3A_21, %swap3A_22] : memref<1024x64xf32, #tpu.memory_space<vmem>>, vector<1024x64xf32>
    tpu.vector_store %arg5[%swap3A_21, %swap3A_22], %slice3A_20 {strides = array<i32>} : memref<1024x64xf32, #tpu.memory_space<vmem>>, vector<1024x64xf32>,
    return
  }
  func.func @transform_0(%arg0: i32) -> (i32, i32) {
    %c0_i32 = arith.constant 0 : i32
    %c0_i32_0 = arith.constant 0 : i32
    %c0_i32_1 = arith.constant 0 : i32
    return %c0_i32, %c0_i32_0 : i32, i32
  }
  func.func @transform_1(%arg0: i32) -> (i32, i32) {
    %c0_i32 = arith.constant 0 : i32
    %c0_i32_0 = arith.constant 0 : i32
    return %arg0, %c0_i32 : i32, i32
  }
  func.func @transform_2(%arg0: i32) -> (i32, i32) {
    %c0_i32 = arith.constant 0 : i32
    %c0_i32_0 = arith.constant 0 : i32
    %c0_i32_1 = arith.constant 0 : i32
    return %c0_i32, %c0_i32_0 : i32, i32
  }
  func.func @transform_3(%arg0: i32) -> (i32, i32) {
    %c0_i32 = arith.constant 0 : i32
    %c0_i32_0 = arith.constant 0 : i32
    return %arg0, %c0_i32 : i32, i32
  }
  func.func @transform_4(%arg0: i32) -> (i32, i32) {
    %c0_i32 = arith.constant 0 : i32
    %c0_i32_0 = arith.constant 0 : i32
    return %arg0, %c0_i32 : i32, i32
  }
  func.func @transform_5(%arg0: i32) -> (i32, i32) {
    %c0_i32 = arith.constant 0 : i32
    %c0_i32_0 = arith.constant 0 : i32
    return %arg0, %c0_i32 : i32, i32
  }
}

module attributes {stable_mosaic.version = 14 : i64} {
  func.func @_final_body(%arg0: i32, %arg1: memref<1024x64xf32, #tpu.memory_space<vmem>>, %arg2: memref<1024x64xf32, #tpu.memory_space<vmem>>, %arg3: memref<1024x1xf32, #tpu.memory_space<vmem>>, %arg4: memref<1x128xf32, #tpu.memory_space<vmem>>, %arg5: memref<1024x128xf32, #tpu.memory_space<vmem>>, %arg6: memref<1024x128xf32, #tpu.memory_space<vmem>>) attributes {dimension_semantics = [#tpu.dimension_semantics<arbitrary>], iteration_bounds = array<i64: 10>, scalar_prefetch = 0 : i64, scratch_operands = 0 : i64, tpu.core_type = #tpu.core_type<tc>, window_params = [{transform_indices = @transform_0, window_bounds = array<i64: 1024, 64>}, {transform_indices = @transform_1, window_bounds = array<i64: 1024, 64>}, {transform_indices = @transform_2, window_bounds = array<i64: 1024, 1>}, {pipeline_mode = #tpu.pipeline_mode<synchronous>, transform_indices = @transform_3, window_bounds = array<i64: 1, 128>}, {transform_indices = @transform_4, window_bounds = array<i64: 1024, 128>}, {transform_indices = @transform_5, window_bounds = array<i64: 1024, 128>}]} {
    %get3A = arith.constant 0 : index
    %get3A_0 = arith.constant 0 : index
    %get3A_1 = vector.load %arg1[%get3A, %get3A_0] : memref<1024x64xf32, #tpu.memory_space<vmem>>, vector<1024x64xf32>
    %get3A_2 = arith.constant 0 : index
    %get3A_3 = arith.constant 0 : index
    %get3A_4 = vector.load %arg2[%get3A_2, %get3A_3] : memref<1024x64xf32, #tpu.memory_space<vmem>>, vector<1024x64xf32>
    %concatenate3A = tpu.concatenate %get3A_1, %get3A_4 in 1 : vector<1024x64xf32>, vector<1024x64xf32> -> vector<1024x128xf32>
    %get3A_5 = arith.constant 0 : index
    %get3A_6 = arith.constant 0 : index
    %get3A_7 = vector.load %arg3[%get3A_5, %get3A_6] : memref<1024x1xf32, #tpu.memory_space<vmem>>, vector<1024x1xf32>
    %mul3A = vector.broadcast %get3A_7 : vector<1024x1xf32> to vector<1024x128xf32>
    %mul3A_8 = arith.mulf %concatenate3A, %mul3A : vector<1024x128xf32>
    %get3A_9 = arith.constant 0 : index
    %get3A_10 = arith.constant 0 : index
    %get3A_11 = vector.load %arg4[%get3A_9, %get3A_10] : memref<1x128xf32, #tpu.memory_space<vmem>>, vector<1x128xf32>
    %add3A = vector.broadcast %get3A_11 : vector<1x128xf32> to vector<1024x128xf32>
    %add3A_12 = arith.addf %mul3A_8, %add3A : vector<1024x128xf32>
    %get3A_13 = arith.constant 0 : index
    %get3A_14 = arith.constant 0 : index
    %get3A_15 = vector.load %arg5[%get3A_13, %get3A_14] : memref<1024x128xf32, #tpu.memory_space<vmem>>, vector<1024x128xf32>
    %add3A_16 = arith.addf %add3A_12, %get3A_15 : vector<1024x128xf32>
    %swap3A = arith.constant 0 : index
    %swap3A_17 = arith.constant 0 : index
    %swap3A_18 = vector.load %arg6[%swap3A, %swap3A_17] : memref<1024x128xf32, #tpu.memory_space<vmem>>, vector<1024x128xf32>
    tpu.vector_store %arg6[%swap3A, %swap3A_17], %add3A_16 {strides = array<i32>} : memref<1024x128xf32, #tpu.memory_space<vmem>>, vector<1024x128xf32>,
    return
  }
  func.func @transform_0(%arg0: i32) -> (i32, i32) {
    %c0_i32 = arith.constant 0 : i32
    %c0_i32_0 = arith.constant 0 : i32
    return %arg0, %c0_i32 : i32, i32
  }
  func.func @transform_1(%arg0: i32) -> (i32, i32) {
    %c0_i32 = arith.constant 0 : i32
    %c0_i32_0 = arith.constant 0 : i32
    return %arg0, %c0_i32 : i32, i32
  }
  func.func @transform_2(%arg0: i32) -> (i32, i32) {
    %c0_i32 = arith.constant 0 : i32
    %c0_i32_0 = arith.constant 0 : i32
    return %arg0, %c0_i32 : i32, i32
  }
  func.func @transform_3(%arg0: i32) -> (i32, i32) {
    %c0_i32 = arith.constant 0 : i32
    %c0_i32_0 = arith.constant 0 : i32
    %c0_i32_1 = arith.constant 0 : i32
    return %c0_i32, %c0_i32_0 : i32, i32
  }
  func.func @transform_4(%arg0: i32) -> (i32, i32) {
    %c0_i32 = arith.constant 0 : i32
    %c0_i32_0 = arith.constant 0 : i32
    return %arg0, %c0_i32 : i32, i32
  }
  func.func @transform_5(%arg0: i32) -> (i32, i32) {
    %c0_i32 = arith.constant 0 : i32
    %c0_i32_0 = arith.constant 0 : i32
    return %arg0, %c0_i32 : i32, i32
  }
}

</mosaic_0001>

<sc_bundles>
// kernel: kernel.6.cloned.1.call-start
scs
__scs_entry_jumppad:
0x0: {  	(pc) =	sbr.rel $0x88, $3  }
0x1: {  	(tag) =	ssettag $0x0;
	lr =	simm.s32 $0x1  }
0x2: {  	[smem:$0x3F9C] =	sst lr;
	_ =	strace $0xD0000000  }
0x3: {  	_ = 	snop  }
0x4: {  	_ = 	snop  }
0x5: {  	_ = 	snop  }
0x6: {  	_ = 	snop  }
0x7: {  	_ = 	snop  }
__scs_overlays_trampoline_lowered:
0x8: {  	[smem:$0x3FAB] =	sst s0  }
0x9: {  	[smem:$0x3FAC] =	sst s1  }
0xa: {  	[smem:$0x3FAD] =	sst s2  }
0xb: {  	[smem:$0x3FAE] =	sst s3  }
0xc: {  	[smem:$0x3FAF] =	sst s4  }
0xd: {  	[smem:$0x3FB0] =	sst s5  }
0xe: {  	[smem:$0x3FB1] =	sst s6  }
0xf: {  	[smem:$0x3FB2] =	sst s7  }
0x10: {  	[smem:$0x3FB3] =	sst s8  }
0x11: {  	[smem:$0x3FB4] =	sst s9;
	s0 =	simm.s32 @!p0 $0x0  }
0x12: {  	s1 =	sld [smem:$0x3F9A];
	s0 =	simm.s32 @p0 $0x1  }
0x13: {  	[smem:$0x3FB5] =	sst s0;
	s0 =	simm.s32 @!p1 $0x0  }
0x14: {  	s2 =	sld [smem:$0x3F99];
	s0 =	simm.s32 @p1 $0x1  }
0x15: {  	[smem:$0x3FB6] =	sst s0;
	s0 =	simm.s32 @!p2 $0x0  }
0x16: {  	s3 =	sld [smem:$0x3FDB];
	s0 =	simm.s32 @p2 $0x1  }
0x17: {  	s4 =	simm.s32 $0x1BF5;
	[smem:$0x3FB8] =	sst s0  }
0x18: {  	s0 =	sld [smem:$0x3F9B];
	_ =	swait.ge [sflag:s4], $0x0  }
0x19: {  	s7 =	sld [smem:$0x3F9C]  }
0x1a: {  	s8 =	sadd.s32 $0xFFFFE003, lr  }
0x1b: {  	s9 =	sadd.s32 $0xFFFFFEF7, lr;
	s5 =	simm.s32 $0xFFFFFFFF;
	p2 =	slt.u32 s8, $0xFFFFF086  }
0x1c: {  	p1 =	slt.u32 s9, $0xF7A;
	s5 =	simm.s32 @!p2 $0x0  }
0x1d: {  	s5 =	simm.s32 @p1 $0x1;
	p0 =	seq.s32 s7, s2  }
0x1e: {  	s7 =	smul.u32 @!p0 $0xF7A, s2;
	p2 =	seq.s32 @!p0 s5, $0x0  }
0x1f: {  	s9 =	smul.u32 $0xF7A, s1;
	s8 =	simm.s32 @!p0 $0x1BF5;
	p2 =	por !p2, p0  }
0x20: {  	[sflag:s8] =	ssyncset.s32 @!p0 $0xFFFFF086;
	s6 =	sadd.s32 @!p0 s3, s7;
	s7 =	simm.s32 @!p0 $0x108  }
0x21: {  	s3 =	sadd.s32 s3, s9;
	s6 =	sadd.s32 @!p0 $0x88, s6;
	s7 =	simm.s32 @p2 $0x1082  }
0x22: {  	[simem:s7], [sflag:s8] =	dma.local @!p0 [hbm:s6], $0xF7A  }
0x23: {  	s9 =	sor.u32 $0xD0000000, s2;
	s6 =	simm.s32 $0x108;
	_ =	swait.ge @!p0 [sflag:s8], $0x0  }
0x24: {  	s3 =	sadd.s32 $0x88, s3;
	s6 =	simm.s32 @!p1 $0x1082;
	[sflag:s4] =	ssyncset.s32 $0xFFFFF086  }
0x25: {  	[simem:s6], [sflag:s4] =	dma.local [hbm:s3], $0xF7A  }
0x26: {  	[smem:$0x3F9C] =	sst s1;
	(tag) =	ssettag s2;
	_ =	strace s9  }
0x27: {  	s1 =	sld [smem:$0x3FAC]  }
0x28: {  	s2 =	sld [smem:$0x3FAD]  }
0x29: {  	s4 =	sld [smem:$0x3FAF]  }
0x2a: {  	p0 =	seq.s32 s5, $0x0;
	s5 =	sld [smem:$0x3FB0]  }
0x2b: {  	s6 =	sld [smem:$0x3FB1]  }
0x2c: {  	s7 =	sld [smem:$0x3FB2]  }
0x2d: {  	s3 =	simm.s32 $0x108;
	s8 =	sld [smem:$0x3FB3]  }
0x2e: {  	s3 =	simm.s32 @!p0 $0x1082;
	s9 =	sld [smem:$0x3FB4]  }
0x2f: {  	lr =	sadd.s32 s0, s3;
	s0 =	sld [smem:$0x3FAB]  }
0x30: {  	s3 =	sld [smem:$0x3FAE]  }
0x31: {  	[smem:$0x3FB7] =	sst s10  }
0x32: {  	s10 =	sld [smem:$0x3FB5];
	_ =	sdelay $0x3  }
0x33: {  	p0 =	seq.s32 s10, $0x1;
	s10 =	sld [smem:$0x3FB7];
	_ =	sdelay $0x3  }
0x34: {  	[smem:$0x3FB7] =	sst s10  }
0x35: {  	s10 =	sld [smem:$0x3FB6];
	_ =	sdelay $0x3  }
0x36: {  	p1 =	seq.s32 s10, $0x1;
	s10 =	sld [smem:$0x3FB7];
	_ =	sdelay $0x3  }
0x37: {  	[smem:$0x3FB7] =	sst s10  }
0x38: {  	s10 =	sld [smem:$0x3FB8]  }
0x39: {  	_ = 	snop;
	(pc) =	sbr.ind lr, $3  }
0x3a: {  	_ = 	snop  }
0x3b: {  	_ = 	snop  }
0x3c: {  	p2 =	seq.s32 s10, $0x1;
	s10 =	sld [smem:$0x3FB7]  }
0x3d: {  	_ =	shalt  }
0x3e: {  	_ =	shalt  }
0x3f: {  	_ =	shalt  }
0x40: {  	_ =	shalt  }
0x41: {  	_ =	shalt  }
0x42: {  	_ =	shalt  }
0x43: {  	_ =	shalt  }
0x44: {  	_ =	shalt  }
0x45: {  	_ =	shalt  }
0x46: {  	_ =	shalt  }
0x47: {  	_ =	shalt  }
0x48: {  	_ =	shalt  }
0x49: {  	_ =	shalt  }
0x4a: {  	_ =	shalt  }
0x4b: {  	_ =	shalt  }
0x4c: {  	_ =	shalt  }
0x4d: {  	_ =	shalt  }
0x4e: {  	_ =	shalt  }
0x4f: {  	_ =	shalt  }
0x50: {  	_ =	shalt  }
0x51: {  	_ =	shalt  }
0x52: {  	_ =	shalt  }
0x53: {  	_ =	shalt  }
0x54: {  	_ =	shalt  }
0x55: {  	_ =	shalt  }
0x56: {  	_ =	shalt  }
0x57: {  	_ =	shalt  }
0x58: {  	_ =	shalt  }
0x59: {  	_ =	shalt  }
0x5a: {  	_ =	shalt  }
0x5b: {  	_ =	shalt  }
0x5c: {  	_ =	shalt  }
0x5d: {  	_ =	shalt  }
0x5e: {  	_ =	shalt  }
0x5f: {  	_ =	shalt  }
0x60: {  	_ =	shalt  }
0x61: {  	_ =	shalt  }
0x62: {  	_ =	shalt  }
0x63: {  	_ =	shalt  }
0x64: {  	_ =	shalt  }
0x65: {  	_ =	shalt  }
0x66: {  	_ =	shalt  }
0x67: {  	_ =	shalt  }
0x68: {  	_ =	shalt  }
0x69: {  	_ =	shalt  }
0x6a: {  	_ =	shalt  }
0x6b: {  	_ =	shalt  }
0x6c: {  	_ =	shalt  }
0x6d: {  	_ =	shalt  }
0x6e: {  	_ =	shalt  }
0x6f: {  	_ =	shalt  }
0x70: {  	_ =	shalt  }
0x71: {  	_ =	shalt  }
0x72: {  	_ =	shalt  }
0x73: {  	_ =	shalt  }
0x74: {  	_ =	shalt  }
0x75: {  	_ =	shalt  }
0x76: {  	_ =	shalt  }
0x77: {  	_ =	shalt  }
0x78: {  	_ =	shalt  }
0x79: {  	_ =	shalt  }
0x7a: {  	_ =	shalt  }
0x7b: {  	_ =	shalt  }
0x7c: {  	_ =	shalt  }
0x7d: {  	_ =	shalt  }
0x7e: {  	_ =	shalt  }
0x7f: {  	_ =	shalt  }
0x80: {  	_ =	shalt  }
0x81: {  	_ =	shalt  }
0x82: {  	_ =	shalt  }
0x83: {  	_ =	shalt  }
0x84: {  	_ =	shalt  }
0x85: {  	_ =	shalt  }
0x86: {  	_ =	shalt  }
0x87: {  	_ =	shalt  }
.Lfunc_end0:
.L_simem_size_0:
called_computation_lowered:
.L_overlay_start_0:
0x88: {  	s2 =	sld [smem:$0x3FD9]  }
0x89: {  	s3 =	sld [smem:$0x3FFE];
	_ =	sdelay $0x1  }
0x8a: {  	s1 =	srdreg.scid  }
0x8b: {  	s0 =	sand.u32 $0x1, s1  }
0x8c: {  	s17 =	sshll.u32 s0, $0xA;
	s2 =	sadd.s32 s3, s2  }
0x8d: {  	s2 =	sadd.s32 s2, s17  }
0x8e: {  	[smem:$0x3FC3] =	sst s2  }
0x8f: {  	_ = 	snop  }
0x90: {  	s2 =	sld [smem:$0x3FD0];
	(tm) =	ssettm $0x1  }
0x91: {  	s18 =	sld [smem:$0x3FFB];
	_ =	sdelay $0x3  }
0x92: {  	_ =	strace s18  }
0x93: {  	s3 =	sld [smem:$0x3FFC];
	_ =	sdelay $0x3  }
0x94: {  	_ =	strace s3  }
0x95: {  	s3 =	sld [smem:$0x3FFD];
	_ =	sdelay $0x3  }
0x96: {  	_ =	strace s3  }
0x97: {  	_ =	strace $0x8FFFFFFF  }
0x98: {  	s19 =	sld [smem:$0x3FDB];
	_ =	sdelay $0x1  }
0x99: {  	s4 =	simm.s32 $_scs_section_size  }
0x9a: {  	s5 =	simm.s32 $_size__tile_overlayer_lowered;
	s6 =	simm.s32 $_tile_overlayer_lowered  }
0x9b: {  	s22 =	simm.s32 $0x1BFF;
	s21 =	sshll.u32 s6, $0x1;
	s3 =	sadd.s32 s4, s19  }
0x9c: {  	s7 =	simm.s32 $0x0;
	s20 =	sshll.u32 s5, $0x1;
	s5 =	sadd.s32 s21, s3  }
0x9d: {  	[timem:s7], [sflag:s22] =	dma.local [hbm:s5], s20  }
0x9e: {  	_ =	swait.ge [sflag:s22], s20  }
0x9f: {  	s4 =	ssub.s32 $0x0, s20;
	[sflag:s22] =	ssyncset.done $0x0  }
0xa0: {  	[sflag:s22] =	ssyncadd.s32 s4;
	_ =	sdelay $0x1  }
0xa1: {  	s23 =	simm.s32 $0x1B8B  }
0xa2: {  	_ =	swait.ge [sflag:s23], $0x1  }
0xa3: {  	[sflag:s23] =	ssyncset.done $0x0  }
0xa4: {  	s25 =	simm.s32 $0x1B8E;
	s24 =	sld [smem:$0x3FFE];
	[sflag:s23] =	ssyncadd.s32 $0xFFFFFFFF  }
0xa5: {  	s26 =	simm.s32 $execute0_lowered;
	[smem:$0x3FD2] =	sst s25  }
0xa6: {  	s5 =	sshll.u32 s26, $0x1;
	_ =	strace $0x80000046;
	[dreg:$0x1] =	wrdreg $0xFFFFFFFF  }
0xa7: {  	s28 =	simm.s32 $_size_execute0_lowered;
	s3 =	sadd.s32 s3, s5;
	[dreg:$0x0] =	wrdreg $0x0  }
0xa8: {  	s5 =	sshll.u32 s28, $0x1;
	[dreg:$0x2] =	wrdreg s3  }
0xa9: {  	[dreg:$0x3] =	wrdreg s5  }
0xaa: {  	[dreg:$0x4] =	wrdreg $0xC0  }
0xab: {  	_ =	task [dreg:s7], $0x5FFFF  }
0xac: {  	[dreg:$0x1] =	wrdreg $0xFFFFFFFF  }
0xad: {  	[dreg:$0x0] =	wrdreg $0x60  }
0xae: {  	[dreg:$0x2] =	wrdreg s24  }
0xaf: {  	[dreg:$0x3] =	wrdreg s2  }
0xb0: {  	[dreg:$0x4] =	wrdreg $0x9  }
0xb1: {  	_ =	task.clear_ibuf [dreg:s7], $0x5FFFF;
	_ =	strace $0x90000046  }
0xb2: {  	s29 =	simm.s32 $0x9;
	_ =	strace $0x80000048  }
0xb3: {  	_ =	swait.ge [sflag:s29], $0x1  }
0xb4: {  	[sflag:s29] =	ssyncadd.s32 $0xFFFFFFFF  }
0xb5: {  	_ =	strace $0x90000048  }
0xb6: {  	_ =	sfence  }
0xb7: {  	s30 =	sld [smem:$0x0];
	_ =	sdelay $0x2  }
0xb8: {  	s31 =	sshll.u32 s1, $0xD;
	s1 =	sshrl.u32 s1, $0x2  }
0xb9: {  	s3 =	sand.u32 $0x4000, s31;
	s1 =	sadd.s32 s1, s30  }
0xba: {  	s0 =	sor.u32 s3, s0;
	s1 =	sshll.u32 s1, $0x11  }
0xbb: {  	s0 =	sor.u32 s1, s0  }
0xbc: {  	s0 =	sadd.s32 $0x8F2B, s0  }
0xbd: {  	[sflag:s0] =	ssyncadd.remote.s32 $0x1  }
0xbe: {  	_ =	sfence.sel $0xFFFF  }
0xbf: {  	[dreg:$0x0] =	wrdreg $0xFFFFFFFF;
	(pc) =	sbr.abs _section_cstart, $3  }
0xc0: {  	[dreg:$0x1] =	wrdreg $0xFFFFFFFF  }
0xc1: {  	_ =	task.clear_ibuf [dreg:s7], $0x2FFFF;
	_ =	strace $0x9FFFFFFF  }
0xc2: {  	(tm) =	ssettm $0x7FFFFFFF  }
0xc3: {  	_ =	shalt  }
tec
execute0_lowered:
.L_overlay_start_1:
0x0: {  	(tag) =	ssettag $0x1  }
0x1: {  	s1 =	srdreg.scid;
	s3 =	rddreg [dreg:$0x0]  }
0x2: {  	s0 =	stileid.u32;
	s5 =	rddreg [dreg:$0x1]  }
0x3: {  	s2 =	simm.s32 $0x0;
	s4 =	sand.u32 $0x1, s1;
	s31 =	sshll.u32 s0, $0x1  }
0x4: {  	s10 =	simm.s32 $0x1;
	s11 =	simm.s32 $0x7D0;
	s6 =	sor.u32 s4, s31  }
0x5: {  	s1 =	rddreg [dreg:$0x2];
	s4 =	ssub.s32 $0x2, s4;
	s7 =	smul.u32 $0x2710, s6  }
0x6: {  	s12 =	simm.s32 $0x0;
	[smem:$0x7FF] =	sst s2;
	s8 =	sshrl.u32 s4, $0x1  }
0x7: {  	s6 =	smul.u32 $0x500, s6;
	s4 =	ssub.s32 s4, s8;
	s7 =	sshrl.u32 s7, $0x3  }
0x8: {  	_ =	strace $0x80000047;
	s4 =	smax.u32 s4, $0x1;
	s9 =	sadd.s32 s7, s3  }
0x9: {  	s3 =	sadd.s32 s5, s6;
	s5 =	sadd.s32 $0x1C00, s9;
	s6 =	sadd.s32 $0x1CFA, s9  }
0xa: {  	v0 =	vimm.f32 $0.0e+00;
	v1 =	vimm.f32 $1.000000000e+00;
	s7 =	sadd.s32 $0x1DF4, s9;
	s8 =	sadd.s32 $0x1EEE, s9;
	s9 =	sadd.s32 $0x1FE8, s9  }
.LBB2_1:
0xb: {  	s13 =	simm.s32 $0x40;
	s14 =	simm.s32 $0x0  }
.LBB2_2:
0xc: {  	p0 =	sne.s32 s13, $0x9FC0;
	[tilespmem:s14+$0x7D0] =	vst v0;
	s14 =	smov.u32 s13;
	s13 =	sadd.s32 $0x40, s13  }
.Ltmp0:
0xd: {  	(pc) =	sbr.rel @p0 .LBB2_2-.Ltmp0, $2  }
0xe: {  	_ =	sdelay $0x2  }
0xf: {  	s14 =	sshra.s32 s14, $0x2  }
0x10: {  	[tilespmem:s14+$0x7D0] =	vst v0;
	s13 =	simm.s32 $0x0  }
0x11: {  	[tilespmem:s13], [sflag:$0x1] =	stream.linear.gather [hbm4b:s5+s13], $0x7D0, $0x38;
	[tilespmem:$0x2FD0] =	vst v63  }
0x12: {  	_ =	swait.ge [sflag:s10], $0x7D0  }
0x13: {  	[sflag:s10] =	ssyncset.done $0x0  }
0x14: {  	s14 =	simm.s32 $0x0;
	s13 =	simm.s32 $0x40;
	[sflag:s10] =	ssyncadd.s32 $0xFFFFF830  }
.LBB2_4:
0x15: {  	p0 =	sne.s32 s13, $0x1F00;
	v2 =	vld [tilespmem:s14+$0x0];
	_ =	sdelay $0x3  }
.Ltmp1:
0x16: {  	(pc) =	sbr.rel @p0 .LBB2_4-.Ltmp1, $2  }
0x17: {  	_ =	sdelay $0x2  }
0x18: {  	s14 =	sshra.s32 s13, $0x2;
	s13 =	sadd.s32 $0x40, s13;
	[tilespmem:v2+s11+$0x0] =	vst.idx.add.f32.msk $0xffff, v1  }
0x19: {  	v2 =	vld [tilespmem:s14+$0x0];
	_ =	sdelay $0x7  }
0x1a: {  	s13 =	simm.s32 $0x0;
	[tilespmem:v2+s11+$0x0] =	vst.idx.add.f32.msk $0xffff, v1  }
0x1b: {  	[tilespmem:s13], [sflag:$0x1] =	stream.linear.gather [hbm4b:s6+s13], $0x7D0, $0x38;
	[tilespmem:$0x2FD0] =	vst v63  }
0x1c: {  	_ =	swait.ge [sflag:s10], $0x7D0  }
0x1d: {  	[sflag:s10] =	ssyncset.done $0x0  }
0x1e: {  	s14 =	simm.s32 $0x0;
	s13 =	simm.s32 $0x40;
	[sflag:s10] =	ssyncadd.s32 $0xFFFFF830  }
.LBB2_6:
0x1f: {  	p0 =	sne.s32 s13, $0x1F00;
	v2 =	vld [tilespmem:s14+$0x0];
	_ =	sdelay $0x3  }
.Ltmp2:
0x20: {  	(pc) =	sbr.rel @p0 .LBB2_6-.Ltmp2, $2  }
0x21: {  	_ =	sdelay $0x2  }
0x22: {  	s14 =	sshra.s32 s13, $0x2;
	s13 =	sadd.s32 $0x40, s13;
	[tilespmem:v2+s11+$0x0] =	vst.idx.add.f32.msk $0xffff, v1  }
0x23: {  	v2 =	vld [tilespmem:s14+$0x0];
	_ =	sdelay $0x7  }
0x24: {  	s13 =	simm.s32 $0x0;
	[tilespmem:v2+s11+$0x0] =	vst.idx.add.f32.msk $0xffff, v1  }
0x25: {  	[tilespmem:s13], [sflag:$0x1] =	stream.linear.gather [hbm4b:s7+s13], $0x7D0, $0x38;
	[tilespmem:$0x2FD0] =	vst v63  }
0x26: {  	_ =	swait.ge [sflag:s10], $0x7D0  }
0x27: {  	[sflag:s10] =	ssyncset.done $0x0  }
0x28: {  	s14 =	simm.s32 $0x0;
	s13 =	simm.s32 $0x40;
	[sflag:s10] =	ssyncadd.s32 $0xFFFFF830  }
.LBB2_8:
0x29: {  	p0 =	sne.s32 s13, $0x1F00;
	v2 =	vld [tilespmem:s14+$0x0];
	_ =	sdelay $0x3  }
.Ltmp3:
0x2a: {  	(pc) =	sbr.rel @p0 .LBB2_8-.Ltmp3, $2  }
0x2b: {  	_ =	sdelay $0x2  }
0x2c: {  	s14 =	sshra.s32 s13, $0x2;
	s13 =	sadd.s32 $0x40, s13;
	[tilespmem:v2+s11+$0x0] =	vst.idx.add.f32.msk $0xffff, v1  }
0x2d: {  	v2 =	vld [tilespmem:s14+$0x0];
	_ =	sdelay $0x7  }
0x2e: {  	s13 =	simm.s32 $0x0;
	[tilespmem:v2+s11+$0x0] =	vst.idx.add.f32.msk $0xffff, v1  }
0x2f: {  	[tilespmem:s13], [sflag:$0x1] =	stream.linear.gather [hbm4b:s8+s13], $0x7D0, $0x38;
	[tilespmem:$0x2FD0] =	vst v63  }
0x30: {  	_ =	swait.ge [sflag:s10], $0x7D0  }
0x31: {  	[sflag:s10] =	ssyncset.done $0x0  }
0x32: {  	s14 =	simm.s32 $0x0;
	s13 =	simm.s32 $0x40;
	[sflag:s10] =	ssyncadd.s32 $0xFFFFF830  }
.LBB2_10:
0x33: {  	p0 =	sne.s32 s13, $0x1F00;
	v2 =	vld [tilespmem:s14+$0x0];
	_ =	sdelay $0x3  }
.Ltmp4:
0x34: {  	(pc) =	sbr.rel @p0 .LBB2_10-.Ltmp4, $2  }
0x35: {  	_ =	sdelay $0x2  }
0x36: {  	s14 =	sshra.s32 s13, $0x2;
	s13 =	sadd.s32 $0x40, s13;
	[tilespmem:v2+s11+$0x0] =	vst.idx.add.f32.msk $0xffff, v1  }
0x37: {  	v2 =	vld [tilespmem:s14+$0x0];
	_ =	sdelay $0x7  }
0x38: {  	s13 =	simm.s32 $0x0;
	[tilespmem:v2+s11+$0x0] =	vst.idx.add.f32.msk $0xffff, v1  }
0x39: {  	[tilespmem:s13], [sflag:$0x1] =	stream.linear.gather [hbm4b:s9+s13], $0x7D0, $0x38;
	[tilespmem:$0x2FD0] =	vst v63  }
0x3a: {  	_ =	swait.ge [sflag:s10], $0x7D0  }
0x3b: {  	[sflag:s10] =	ssyncset.done $0x0  }
0x3c: {  	s14 =	simm.s32 $0x0;
	s13 =	simm.s32 $0x40;
	[sflag:s10] =	ssyncadd.s32 $0xFFFFF830  }
.LBB2_12:
0x3d: {  	p0 =	sne.s32 s13, $0x1F00;
	v2 =	vld [tilespmem:s14+$0x0];
	_ =	sdelay $0x3  }
.Ltmp5:
0x3e: {  	(pc) =	sbr.rel @p0 .LBB2_12-.Ltmp5, $2  }
0x3f: {  	_ =	sdelay $0x2  }
0x40: {  	s14 =	sshra.s32 s13, $0x2;
	s13 =	sadd.s32 $0x40, s13;
	[tilespmem:v2+s11+$0x0] =	vst.idx.add.f32.msk $0xffff, v1  }
0x41: {  	v2 =	vld [tilespmem:s14+$0x0];
	_ =	sdelay $0x5  }
0x42: {  	s12 =	sadd.s32 $0x1, s12  }
0x43: {  	p0 =	sne.s32 s12, s4  }
.Ltmp6:
0x44: {  	[tilespmem:v2+s11+$0x0] =	vst.idx.add.f32.msk $0xffff, v1;
	(pc) =	sbr.rel @p0 .LBB2_1-.Ltmp6, $4  }
0x45: {  	[hbm4b:s3+s2] =	stream.linear.scatter [tilespmem:s11], [sflag:$0x1], $0x2800, $0x38;
	[tilespmem:$0x2FD0] =	vst v63  }
0x46: {  	_ =	swait.ge [sflag:s10], $0x2800  }
0x47: {  	[sflag:s10] =	ssyncset.done $0x0  }
0x48: {  	[sflag:s10] =	ssyncadd.s32 $0xFFFFD800  }
0x49: {  	_ =	sfence.sel $0x180000  }
0x4a: {  	[bflag:$0x0] =	sbarrier.arrive $0xFFFF  }
0x4b: {  	p0 =	sne.s32 s0, $0x0;
	_ =	strace $0x90000047  }
0x4c: {  	s0 =	sadd.s32 @!p0 $0x100000, s1;
	[bflag:$0x2] =	sbarrier.arrive $0xFFFF  }
0x4d: {  	[sflag:s0] =	ssyncadd.tile.s32 @!p0 $0x1;
	_ =	shalt  }
.Lfunc_end2:
_tile_overlayer_lowered:
.L_overlay_start_2:
0x4e: {  	(tag) =	ssettag $0x2  }
0x4f: {  	s0 =	rddreg [dreg:$0x0];
	s2 =	stileid.u32  }
0x50: {  	s1 =	rddreg [dreg:$0x1];
	p0 =	sne.s32 s2, $0x0  }
0x51: {  	s3 =	rddreg [dreg:$0x2];
	[bflag:$0x3] =	sbarrier.arrive $0xFFFF;
	s2 =	simm.s32 @!p0 $0x1C01  }
0x52: {  	[timem:s3], [sflag:s2] =	dma.local @!p0 [hbm:s0], s1  }
0x53: {  	s0 =	simm.s32 @!p0 $0x1  }
0x54: {  	_ =	swait.ge @!p0 [sflag:s0], s1  }
0x55: {  	s1 =	ssub.s32 @!p0 $0x0, s1;
	[sflag:s0] =	ssyncset.done @!p0 $0x0  }
0x56: {  	[sflag:s0] =	ssyncadd.s32 @!p0 s1  }
0x57: {  	[bflag:$0x3] =	sbarrier.arrive $0xFFFF  }
0x58: {  	_ =	shalt  }

// kernel: kernel.9.cloned.1.call-start
scs
__scs_entry_jumppad:
0x0: {  	(pc) =	sbr.rel $0x88, $3  }
0x1: {  	(tag) =	ssettag $0x0;
	lr =	simm.s32 $0x1  }
0x2: {  	[smem:$0x3F9C] =	sst lr;
	_ =	strace $0xD0000000  }
0x3: {  	_ = 	snop  }
0x4: {  	_ = 	snop  }
0x5: {  	_ = 	snop  }
0x6: {  	_ = 	snop  }
0x7: {  	_ = 	snop  }
__scs_overlays_trampoline_lowered:
0x8: {  	[smem:$0x3FAB] =	sst s0  }
0x9: {  	[smem:$0x3FAC] =	sst s1  }
0xa: {  	[smem:$0x3FAD] =	sst s2  }
0xb: {  	[smem:$0x3FAE] =	sst s3  }
0xc: {  	[smem:$0x3FAF] =	sst s4  }
0xd: {  	[smem:$0x3FB0] =	sst s5  }
0xe: {  	[smem:$0x3FB1] =	sst s6  }
0xf: {  	[smem:$0x3FB2] =	sst s7  }
0x10: {  	[smem:$0x3FB3] =	sst s8  }
0x11: {  	[smem:$0x3FB4] =	sst s9;
	s0 =	simm.s32 @!p0 $0x0  }
0x12: {  	s1 =	sld [smem:$0x3F9A];
	s0 =	simm.s32 @p0 $0x1  }
0x13: {  	[smem:$0x3FB5] =	sst s0;
	s0 =	simm.s32 @!p1 $0x0  }
0x14: {  	s2 =	sld [smem:$0x3F99];
	s0 =	simm.s32 @p1 $0x1  }
0x15: {  	[smem:$0x3FB6] =	sst s0;
	s0 =	simm.s32 @!p2 $0x0  }
0x16: {  	s3 =	sld [smem:$0x3FDB];
	s0 =	simm.s32 @p2 $0x1  }
0x17: {  	s4 =	simm.s32 $0x1BF5;
	[smem:$0x3FB8] =	sst s0  }
0x18: {  	s0 =	sld [smem:$0x3F9B];
	_ =	swait.ge [sflag:s4], $0x0  }
0x19: {  	s7 =	sld [smem:$0x3F9C]  }
0x1a: {  	s8 =	sadd.s32 $0xFFFFE003, lr  }
0x1b: {  	s9 =	sadd.s32 $0xFFFFFEF7, lr;
	s5 =	simm.s32 $0xFFFFFFFF;
	p2 =	slt.u32 s8, $0xFFFFF086  }
0x1c: {  	p1 =	slt.u32 s9, $0xF7A;
	s5 =	simm.s32 @!p2 $0x0  }
0x1d: {  	s5 =	simm.s32 @p1 $0x1;
	p0 =	seq.s32 s7, s2  }
0x1e: {  	s7 =	smul.u32 @!p0 $0xF7A, s2;
	p2 =	seq.s32 @!p0 s5, $0x0  }
0x1f: {  	s9 =	smul.u32 $0xF7A, s1;
	s8 =	simm.s32 @!p0 $0x1BF5;
	p2 =	por !p2, p0  }
0x20: {  	[sflag:s8] =	ssyncset.s32 @!p0 $0xFFFFF086;
	s6 =	sadd.s32 @!p0 s3, s7;
	s7 =	simm.s32 @!p0 $0x108  }
0x21: {  	s3 =	sadd.s32 s3, s9;
	s6 =	sadd.s32 @!p0 $0x88, s6;
	s7 =	simm.s32 @p2 $0x1082  }
0x22: {  	[simem:s7], [sflag:s8] =	dma.local @!p0 [hbm:s6], $0xF7A  }
0x23: {  	s9 =	sor.u32 $0xD0000000, s2;
	s6 =	simm.s32 $0x108;
	_ =	swait.ge @!p0 [sflag:s8], $0x0  }
0x24: {  	s3 =	sadd.s32 $0x88, s3;
	s6 =	simm.s32 @!p1 $0x1082;
	[sflag:s4] =	ssyncset.s32 $0xFFFFF086  }
0x25: {  	[simem:s6], [sflag:s4] =	dma.local [hbm:s3], $0xF7A  }
0x26: {  	[smem:$0x3F9C] =	sst s1;
	(tag) =	ssettag s2;
	_ =	strace s9  }
0x27: {  	s1 =	sld [smem:$0x3FAC]  }
0x28: {  	s2 =	sld [smem:$0x3FAD]  }
0x29: {  	s4 =	sld [smem:$0x3FAF]  }
0x2a: {  	p0 =	seq.s32 s5, $0x0;
	s5 =	sld [smem:$0x3FB0]  }
0x2b: {  	s6 =	sld [smem:$0x3FB1]  }
0x2c: {  	s7 =	sld [smem:$0x3FB2]  }
0x2d: {  	s3 =	simm.s32 $0x108;
	s8 =	sld [smem:$0x3FB3]  }
0x2e: {  	s3 =	simm.s32 @!p0 $0x1082;
	s9 =	sld [smem:$0x3FB4]  }
0x2f: {  	lr =	sadd.s32 s0, s3;
	s0 =	sld [smem:$0x3FAB]  }
0x30: {  	s3 =	sld [smem:$0x3FAE]  }
0x31: {  	[smem:$0x3FB7] =	sst s10  }
0x32: {  	s10 =	sld [smem:$0x3FB5];
	_ =	sdelay $0x3  }
0x33: {  	p0 =	seq.s32 s10, $0x1;
	s10 =	sld [smem:$0x3FB7];
	_ =	sdelay $0x3  }
0x34: {  	[smem:$0x3FB7] =	sst s10  }
0x35: {  	s10 =	sld [smem:$0x3FB6];
	_ =	sdelay $0x3  }
0x36: {  	p1 =	seq.s32 s10, $0x1;
	s10 =	sld [smem:$0x3FB7];
	_ =	sdelay $0x3  }
0x37: {  	[smem:$0x3FB7] =	sst s10  }
0x38: {  	s10 =	sld [smem:$0x3FB8]  }
0x39: {  	_ = 	snop;
	(pc) =	sbr.ind lr, $3  }
0x3a: {  	_ = 	snop  }
0x3b: {  	_ = 	snop  }
0x3c: {  	p2 =	seq.s32 s10, $0x1;
	s10 =	sld [smem:$0x3FB7]  }
0x3d: {  	_ =	shalt  }
0x3e: {  	_ =	shalt  }
0x3f: {  	_ =	shalt  }
0x40: {  	_ =	shalt  }
0x41: {  	_ =	shalt  }
0x42: {  	_ =	shalt  }
0x43: {  	_ =	shalt  }
0x44: {  	_ =	shalt  }
0x45: {  	_ =	shalt  }
0x46: {  	_ =	shalt  }
0x47: {  	_ =	shalt  }
0x48: {  	_ =	shalt  }
0x49: {  	_ =	shalt  }
0x4a: {  	_ =	shalt  }
0x4b: {  	_ =	shalt  }
0x4c: {  	_ =	shalt  }
0x4d: {  	_ =	shalt  }
0x4e: {  	_ =	shalt  }
0x4f: {  	_ =	shalt  }
0x50: {  	_ =	shalt  }
0x51: {  	_ =	shalt  }
0x52: {  	_ =	shalt  }
0x53: {  	_ =	shalt  }
0x54: {  	_ =	shalt  }
0x55: {  	_ =	shalt  }
0x56: {  	_ =	shalt  }
0x57: {  	_ =	shalt  }
0x58: {  	_ =	shalt  }
0x59: {  	_ =	shalt  }
0x5a: {  	_ =	shalt  }
0x5b: {  	_ =	shalt  }
0x5c: {  	_ =	shalt  }
0x5d: {  	_ =	shalt  }
0x5e: {  	_ =	shalt  }
0x5f: {  	_ =	shalt  }
0x60: {  	_ =	shalt  }
0x61: {  	_ =	shalt  }
0x62: {  	_ =	shalt  }
0x63: {  	_ =	shalt  }
0x64: {  	_ =	shalt  }
0x65: {  	_ =	shalt  }
0x66: {  	_ =	shalt  }
0x67: {  	_ =	shalt  }
0x68: {  	_ =	shalt  }
0x69: {  	_ =	shalt  }
0x6a: {  	_ =	shalt  }
0x6b: {  	_ =	shalt  }
0x6c: {  	_ =	shalt  }
0x6d: {  	_ =	shalt  }
0x6e: {  	_ =	shalt  }
0x6f: {  	_ =	shalt  }
0x70: {  	_ =	shalt  }
0x71: {  	_ =	shalt  }
0x72: {  	_ =	shalt  }
0x73: {  	_ =	shalt  }
0x74: {  	_ =	shalt  }
0x75: {  	_ =	shalt  }
0x76: {  	_ =	shalt  }
0x77: {  	_ =	shalt  }
0x78: {  	_ =	shalt  }
0x79: {  	_ =	shalt  }
0x7a: {  	_ =	shalt  }
0x7b: {  	_ =	shalt  }
0x7c: {  	_ =	shalt  }
0x7d: {  	_ =	shalt  }
0x7e: {  	_ =	shalt  }
0x7f: {  	_ =	shalt  }
0x80: {  	_ =	shalt  }
0x81: {  	_ =	shalt  }
0x82: {  	_ =	shalt  }
0x83: {  	_ =	shalt  }
0x84: {  	_ =	shalt  }
0x85: {  	_ =	shalt  }
0x86: {  	_ =	shalt  }
0x87: {  	_ =	shalt  }
.Lfunc_end0:
.L_simem_size_0:
called_computation.1_lowered:
.L_overlay_start_0:
0x88: {  	s2 =	sld [smem:$0x3FD9]  }
0x89: {  	s3 =	sld [smem:$0x3FFE];
	_ =	sdelay $0x1  }
0x8a: {  	s1 =	srdreg.scid  }
0x8b: {  	s0 =	sand.u32 $0x1, s1  }
0x8c: {  	s17 =	sshll.u32 s0, $0xA;
	s2 =	sadd.s32 s3, s2  }
0x8d: {  	s2 =	sadd.s32 s2, s17  }
0x8e: {  	[smem:$0x3FC3] =	sst s2  }
0x8f: {  	_ = 	snop  }
0x90: {  	s2 =	sld [smem:$0x3FD0];
	(tm) =	ssettm $0x1  }
0x91: {  	s18 =	sld [smem:$0x3FFB];
	_ =	sdelay $0x3  }
0x92: {  	_ =	strace s18  }
0x93: {  	s3 =	sld [smem:$0x3FFC];
	_ =	sdelay $0x3  }
0x94: {  	_ =	strace s3  }
0x95: {  	s3 =	sld [smem:$0x3FFD];
	_ =	sdelay $0x3  }
0x96: {  	_ =	strace s3  }
0x97: {  	_ =	strace $0x8FFFFFFF  }
0x98: {  	s19 =	sld [smem:$0x3FDB];
	_ =	sdelay $0x1  }
0x99: {  	s4 =	simm.s32 $_scs_section_size  }
0x9a: {  	s5 =	simm.s32 $_size__tile_overlayer_lowered;
	s6 =	simm.s32 $_tile_overlayer_lowered  }
0x9b: {  	s22 =	simm.s32 $0x1BFF;
	s21 =	sshll.u32 s6, $0x1;
	s3 =	sadd.s32 s4, s19  }
0x9c: {  	s7 =	simm.s32 $0x0;
	s20 =	sshll.u32 s5, $0x1;
	s5 =	sadd.s32 s21, s3  }
0x9d: {  	[timem:s7], [sflag:s22] =	dma.local [hbm:s5], s20  }
0x9e: {  	_ =	swait.ge [sflag:s22], s20  }
0x9f: {  	s4 =	ssub.s32 $0x0, s20;
	[sflag:s22] =	ssyncset.done $0x0  }
0xa0: {  	[sflag:s22] =	ssyncadd.s32 s4;
	_ =	sdelay $0x1  }
0xa1: {  	s23 =	simm.s32 $0x1B8B  }
0xa2: {  	_ =	swait.ge [sflag:s23], $0x1  }
0xa3: {  	[sflag:s23] =	ssyncset.done $0x0  }
0xa4: {  	s25 =	simm.s32 $0x1B8E;
	s24 =	sld [smem:$0x3FFE];
	[sflag:s23] =	ssyncadd.s32 $0xFFFFFFFF  }
0xa5: {  	s26 =	simm.s32 $execute0_lowered;
	[smem:$0x3FD2] =	sst s25  }
0xa6: {  	s5 =	sshll.u32 s26, $0x1;
	_ =	strace $0x80000049;
	[dreg:$0x1] =	wrdreg $0xFFFFFFFF  }
0xa7: {  	s28 =	simm.s32 $_size_execute0_lowered;
	s3 =	sadd.s32 s3, s5;
	[dreg:$0x0] =	wrdreg $0x0  }
0xa8: {  	s5 =	sshll.u32 s28, $0x1;
	[dreg:$0x2] =	wrdreg s3  }
0xa9: {  	[dreg:$0x3] =	wrdreg s5  }
0xaa: {  	[dreg:$0x4] =	wrdreg $0xC0  }
0xab: {  	_ =	task [dreg:s7], $0x5FFFF  }
0xac: {  	[dreg:$0x1] =	wrdreg $0xFFFFFFFF  }
0xad: {  	[dreg:$0x0] =	wrdreg $0x60  }
0xae: {  	[dreg:$0x2] =	wrdreg s24  }
0xaf: {  	[dreg:$0x3] =	wrdreg s2  }
0xb0: {  	[dreg:$0x4] =	wrdreg $0x0  }
0xb1: {  	[dreg:$0x5] =	wrdreg $0x9C400  }
0xb2: {  	[dreg:$0x6] =	wrdreg $0x9  }
0xb3: {  	_ =	task.clear_ibuf [dreg:s7], $0x7FFFF;
	_ =	strace $0x90000049  }
0xb4: {  	s29 =	simm.s32 $0x9;
	_ =	strace $0x8000004B  }
0xb5: {  	_ =	swait.ge [sflag:s29], $0x1  }
0xb6: {  	[sflag:s29] =	ssyncadd.s32 $0xFFFFFFFF  }
0xb7: {  	_ =	strace $0x9000004B  }
0xb8: {  	_ =	sfence  }
0xb9: {  	s30 =	sld [smem:$0x0];
	_ =	sdelay $0x2  }
0xba: {  	s31 =	sshll.u32 s1, $0xD;
	s1 =	sshrl.u32 s1, $0x2  }
0xbb: {  	s3 =	sand.u32 $0x4000, s31;
	s1 =	sadd.s32 s1, s30  }
0xbc: {  	s0 =	sor.u32 s3, s0;
	s1 =	sshll.u32 s1, $0x11  }
0xbd: {  	s0 =	sor.u32 s1, s0  }
0xbe: {  	s0 =	sadd.s32 $0x8F2B, s0  }
0xbf: {  	[sflag:s0] =	ssyncadd.remote.s32 $0x1  }
0xc0: {  	_ =	sfence.sel $0xFFFF  }
0xc1: {  	[dreg:$0x0] =	wrdreg $0xFFFFFFFF;
	(pc) =	sbr.abs _section_cstart, $3  }
0xc2: {  	[dreg:$0x1] =	wrdreg $0xFFFFFFFF  }
0xc3: {  	_ =	task.clear_ibuf [dreg:s7], $0x2FFFF;
	_ =	strace $0x9FFFFFFF  }
0xc4: {  	(tm) =	ssettm $0x7FFFFFFF  }
0xc5: {  	_ =	shalt  }
tec
execute0_lowered:
.L_overlay_start_1:
0x0: {  	(tag) =	ssettag $0x1  }
0x1: {  	s0 =	rddreg [dreg:$0x0]  }
0x2: {  	s3 =	rddreg [dreg:$0x1]  }
0x3: {  	s1 =	rddreg [dreg:$0x2]  }
0x4: {  	s2 =	rddreg [dreg:$0x3]  }
0x5: {  	s4 =	simm.s32 $0x0;
	s21 =	srdreg.scid;
	s13 =	stileid.u32  }
0x6: {  	s16 =	simm.s32 $0x5;
	s18 =	simm.s32 $0x13880;
	s19 =	simm.s32 $0x14050  }
0x7: {  	s20 =	simm.s32 $0x14820;
	s28 =	simm.s32 $0x147D0;
	s29 =	simm.s32 $0x3  }
0x8: {  	s30 =	simm.s32 $0x4;
	s31 =	simm.s32 $0x15770;
	[smem:$0x7FF] =	sst s4  }
0x9: {  	s5 =	sadd.s32 $0xBA00, s0;
	s4 =	sand.u32 $0x1, s21;
	s8 =	smul.u32 $0x9C40, s13  }
0xa: {  	s6 =	sadd.s32 $0x1C00, s0;
	s12 =	sadd.s32 $0x15800, s0;
	s10 =	smul.u32 $0x4E20, s13  }
0xb: {  	s14 =	sadd.s32 $0x3CC00, s0;
	s0 =	sadd.s32 $0x29200, s0;
	s26 =	sshll.u32 s13, $0x6  }
0xc: {  	s21 =	simm.s32 $0x14FF0;
	_ =	strace $0x8000004A;
	s7 =	ssub.s32 $0x2, s4  }
0xd: {  	p0 =	seq.s32 s4, $0x0;
	s13 =	sor.u32 $0x1C05, s26;
	s26 =	simm.s32 $0x2  }
0xe: {  	s9 =	sshrl.u32 s7, $0x1;
	s22 =	sadd.s32 s8, s1;
	s23 =	sshrl.u32 s10, $0x3  }
0xf: {  	s15 =	sshrl.u32 s8, $0x3;
	s17 =	sadd.s32 s8, s2;
	s12 =	smov.u32 @p0 s3  }
0x10: {  	s0 =	smov.u32 @p0 s14;
	s11 =	ssub.s32 s7, s9;
	s24 =	sadd.s32 s5, s23  }
0x11: {  	s25 =	sadd.s32 s6, s23;
	s9 =	sadd.s32 $0x7D0, s10;
	s10 =	sadd.s32 $0xFA0, s10  }
0x12: {  	s12 =	sadd.s32 s12, s15;
	s14 =	sadd.s32 s0, s15;
	s15 =	sshrl.u32 s22, $0x3  }
0x13: {  	s17 =	sshrl.u32 s17, $0x3;
	s22 =	simm.s32 $0x50;
	[dreg:$0x5] =	wrdreg s24  }
0x14: {  	s23 =	simm.s32 $0x157C0;
	s0 =	simm.s32 $0x0;
	[dreg:$0x6] =	wrdreg s25  }
0x15: {  	s11 =	smax.u32 s11, $0x1;
	s24 =	simm.s32 $0x1;
	s25 =	simm.s32 $0x16BC0  }
.LBB2_1:
0x16: {  	[spmem:s15], [sflag:s13] =	dma.local [hbm:s12], $0x1388  }
0x17: {  	_ =	swait.ge [sflag:s16], $0x1388  }
0x18: {  	[sflag:s16] =	ssyncset.done $0x0  }
0x19: {  	[sflag:s16] =	ssyncadd.s32 $0xFFFFEC78  }
0x1a: {  	[spmem:s17], [sflag:s13] =	dma.local [hbm:s12], $0x1388  }
0x1b: {  	_ =	swait.ge [sflag:s16], $0x1388  }
0x1c: {  	[sflag:s16] =	ssyncset.done $0x0  }
0x1d: {  	[sflag:s16] =	ssyncadd.s32 $0xFFFFEC78  }
0x1e: {  	[bflag:$0x0] =	sbarrier.arrive $0xFFFF  }
0x1f: {  	s3 =	simm.s32 $0x0;
	s4 =	rddreg [dreg:$0x5]  }
0x20: {  	[tilespmem:s18], [sflag:$0x5] =	stream.linear.gather [hbm4b:s4+s3], $0x7D0, $0x38;
	[tilespmem:$0x17FC0] =	vst v63  }
0x21: {  	_ =	swait.ge [sflag:s16], $0x7D0  }
0x22: {  	[sflag:s16] =	ssyncset.done $0x0  }
0x23: {  	s8 =	rddreg [dreg:$0x6];
	[sflag:s16] =	ssyncadd.s32 $0xFFFFF830  }
0x24: {  	[tilespmem:s19], [sflag:$0x5] =	stream.linear.gather [hbm4b:s8+s3], $0x7D0, $0x38;
	[tilespmem:$0x17FC0] =	vst v63  }
0x25: {  	_ =	swait.ge [sflag:s16], $0x7D0  }
0x26: {  	[sflag:s16] =	ssyncset.done $0x0  }
0x27: {  	s4 =	simm.s32 $0x0;
	[sflag:s16] =	ssyncadd.s32 $0xFFFFF830  }
.LBB2_2:
0x28: {  	s3 =	smul.u32 $0xFA0, s4;
	_ =	sdelay $0x1  }
0x29: {  	s3 =	sadd.s32 s3, s9  }
0x2a: {  	s3 =	sshrl.u32 s3, $0x3  }
0x2b: {  	s8 =	simm.s32 $0x0;
	s7 =	sadd.s32 s5, s3  }
0x2c: {  	[tilespmem:s20], [sflag:$0x3] =	stream.linear.gather [hbm4b:s7+s8], $0x7D0, $0x38;
	[tilespmem:$0x17FC0] =	vst v63  }
0x2d: {  	s3 =	sadd.s32 s6, s3  }
0x2e: {  	[tilespmem:s21], [sflag:$0x4] =	stream.linear.gather [hbm4b:s3+s8], $0x7D0, $0x38;
	[tilespmem:$0x17FC0] =	vst v63  }
0x2f: {  	_ = 	snop  }
0x30: {  	[tilespmem:s23], [sflag:$0x1] =	stream.indirect.gather [spmem:s1], $0x40, s18, s22, $0xb8;
	[tilespmem:$0x17FC0] =	vst v63  }
0x31: {  	_ =	swait.ge [sflag:s24], $0x1400  }
0x32: {  	[sflag:s24] =	ssyncset.done $0x0  }
0x33: {  	s7 =	simm.s32 $0x138D0;
	[sflag:s24] =	ssyncadd.s32 $0xFFFFEC00  }
0x34: {  	[tilespmem:s25], [sflag:$0x2] =	stream.indirect.gather [spmem:s1], $0x40, s7, s22, $0xb8;
	[tilespmem:$0x17FC0] =	vst v63  }
0x35: {  	s8 =	simm.s32 $0x14050  }
0x36: {  	[spmem:s2] =	stream.indirect.scatter.add.f32 [tilespmem:s23], [sflag:$0x5], $0x40, s8, s22, $0xb8;
	[tilespmem:$0x17FC0] =	vst v63  }
0x37: {  	_ =	swait.ge [sflag:s16], $0x1400  }
0x38: {  	[sflag:s16] =	ssyncset.done $0x0  }
0x39: {  	[sflag:s16] =	ssyncadd.s32 $0xFFFFEC00  }
0x3a: {  	_ =	swait.ge [sflag:s26], $0x1400  }
0x3b: {  	[sflag:s26] =	ssyncset.done $0x0  }
0x3c: {  	s7 =	simm.s32 $0x13920;
	[sflag:s26] =	ssyncadd.s32 $0xFFFFEC00  }
0x3d: {  	[tilespmem:s23], [sflag:$0x1] =	stream.indirect.gather [spmem:s1], $0x40, s7, s22, $0xb8;
	[tilespmem:$0x17FC0] =	vst v63  }
0x3e: {  	s8 =	simm.s32 $0x140A0  }
0x3f: {  	[spmem:s2] =	stream.indirect.scatter.add.f32 [tilespmem:s25], [sflag:$0x5], $0x40, s8, s22, $0xb8;
	[tilespmem:$0x17FC0] =	vst v63  }
0x40: {  	_ =	swait.ge [sflag:s16], $0x1400  }
0x41: {  	s3 =	simm.s32 $0x280;
	[sflag:s16] =	ssyncset.done $0x0  }
.LBB2_3:
0x42: {  	p0 =	sne.s32 s3, $0x1B80  }
0x43: {  	[sflag:s16] =	ssyncadd.s32 $0xFFFFEC00;
	s7 =	smov.u32 s3;
	s3 =	sadd.s32 $0x280, s3  }
0x44: {  	_ = 	snop  }
0x45: {  	_ =	swait.ge [sflag:s24], $0x1400  }
0x46: {  	s7 =	sshra.s32 s7, $0x2;
	[sflag:s24] =	ssyncset.done $0x0  }
0x47: {  	s8 =	sadd.s32 $0x138D0, s7;
	[sflag:s24] =	ssyncadd.s32 $0xFFFFEC00  }
0x48: {  	[tilespmem:s25], [sflag:$0x2] =	stream.indirect.gather [spmem:s1], $0x40, s8, s22, $0xb8;
	[tilespmem:$0x17FC0] =	vst v63  }
0x49: {  	s8 =	sadd.s32 $0x14050, s7  }
0x4a: {  	[spmem:s2] =	stream.indirect.scatter.add.f32 [tilespmem:s23], [sflag:$0x5], $0x40, s8, s22, $0xb8;
	[tilespmem:$0x17FC0] =	vst v63  }
0x4b: {  	_ =	swait.ge [sflag:s16], $0x1400  }
0x4c: {  	[sflag:s16] =	ssyncset.done $0x0  }
0x4d: {  	[sflag:s16] =	ssyncadd.s32 $0xFFFFEC00  }
0x4e: {  	_ =	swait.ge [sflag:s26], $0x1400  }
0x4f: {  	[sflag:s26] =	ssyncset.done $0x0  }
0x50: {  	s8 =	sadd.s32 $0x13920, s7;
	[sflag:s26] =	ssyncadd.s32 $0xFFFFEC00  }
0x51: {  	[tilespmem:s23], [sflag:$0x1] =	stream.indirect.gather [spmem:s1], $0x40, s8, s22, $0xb8;
	[tilespmem:$0x17FC0] =	vst v63  }
.Ltmp0:
0x52: {  	_ = 	snop;
	(pc) =	sbr.rel @p0 .LBB2_3-.Ltmp0, $4  }
0x53: {  	s7 =	sadd.s32 $0x140A0, s7  }
0x54: {  	[spmem:s2] =	stream.indirect.scatter.add.f32 [tilespmem:s25], [sflag:$0x5], $0x40, s7, s22, $0xb8;
	[tilespmem:$0x17FC0] =	vst v63  }
0x55: {  	_ =	swait.ge [sflag:s16], $0x1400  }
0x56: {  	[sflag:s16] =	ssyncset.done $0x0  }
0x57: {  	[sflag:s16] =	ssyncadd.s32 $0xFFFFEC00  }
0x58: {  	_ =	swait.ge [sflag:s24], $0x1400  }
0x59: {  	[sflag:s24] =	ssyncset.done $0x0  }
0x5a: {  	[sflag:s24] =	ssyncadd.s32 $0xFFFFEC00  }
0x5b: {  	[spmem:s2] =	stream.indirect.scatter.add.f32 [tilespmem:s23], [sflag:$0x5], $0x40, s28, s22, $0xb8;
	[tilespmem:$0x17FC0] =	vst v63  }
0x5c: {  	_ =	swait.ge [sflag:s16], $0x1400  }
0x5d: {  	[sflag:s16] =	ssyncset.done $0x0  }
0x5e: {  	s3 =	sshll.u32 s4, $0x1;
	[sflag:s16] =	ssyncadd.s32 $0xFFFFEC00  }
0x5f: {  	s3 =	smin.u32 s3, $0x7;
	_ =	swait.ge [sflag:s29], $0x7D0  }
0x60: {  	s3 =	smul.u32 $0x7D0, s3;
	[sflag:s29] =	ssyncset.done $0x0  }
0x61: {  	[sflag:s29] =	ssyncadd.s32 $0xFFFFF830  }
0x62: {  	s3 =	sadd.s32 s3, s10;
	_ =	swait.ge [sflag:s30], $0x7D0  }
0x63: {  	s3 =	sshrl.u32 s3, $0x3;
	[sflag:s30] =	ssyncset.done $0x0  }
0x64: {  	s8 =	simm.s32 $0x0;
	s7 =	sadd.s32 s5, s3;
	[sflag:s30] =	ssyncadd.s32 $0xFFFFF830  }
0x65: {  	[tilespmem:s18], [sflag:$0x3] =	stream.linear.gather [hbm4b:s7+s8], $0x7D0, $0x38;
	[tilespmem:$0x17FC0] =	vst v63  }
0x66: {  	s3 =	sadd.s32 s6, s3  }
0x67: {  	[tilespmem:s19], [sflag:$0x4] =	stream.linear.gather [hbm4b:s3+s8], $0x7D0, $0x38;
	[tilespmem:$0x17FC0] =	vst v63  }
0x68: {  	_ = 	snop  }
0x69: {  	[tilespmem:s23], [sflag:$0x1] =	stream.indirect.gather [spmem:s1], $0x40, s20, s22, $0xb8;
	[tilespmem:$0x17FC0] =	vst v63  }
0x6a: {  	_ =	swait.ge [sflag:s24], $0x1400  }
0x6b: {  	[sflag:s24] =	ssyncset.done $0x0  }
0x6c: {  	s7 =	simm.s32 $0x14870;
	[sflag:s24] =	ssyncadd.s32 $0xFFFFEC00  }
0x6d: {  	[tilespmem:s25], [sflag:$0x2] =	stream.indirect.gather [spmem:s1], $0x40, s7, s22, $0xb8;
	[tilespmem:$0x17FC0] =	vst v63  }
0x6e: {  	s8 =	simm.s32 $0x14FF0  }
0x6f: {  	[spmem:s2] =	stream.indirect.scatter.add.f32 [tilespmem:s23], [sflag:$0x5], $0x40, s8, s22, $0xb8;
	[tilespmem:$0x17FC0] =	vst v63  }
0x70: {  	_ =	swait.ge [sflag:s16], $0x1400  }
0x71: {  	[sflag:s16] =	ssyncset.done $0x0  }
0x72: {  	[sflag:s16] =	ssyncadd.s32 $0xFFFFEC00  }
0x73: {  	_ =	swait.ge [sflag:s26], $0x1400  }
0x74: {  	[sflag:s26] =	ssyncset.done $0x0  }
0x75: {  	s7 =	simm.s32 $0x148C0;
	[sflag:s26] =	ssyncadd.s32 $0xFFFFEC00  }
0x76: {  	[tilespmem:s23], [sflag:$0x1] =	stream.indirect.gather [spmem:s1], $0x40, s7, s22, $0xb8;
	[tilespmem:$0x17FC0] =	vst v63  }
0x77: {  	s8 =	simm.s32 $0x15040  }
0x78: {  	[spmem:s2] =	stream.indirect.scatter.add.f32 [tilespmem:s25], [sflag:$0x5], $0x40, s8, s22, $0xb8;
	[tilespmem:$0x17FC0] =	vst v63  }
0x79: {  	_ =	swait.ge [sflag:s16], $0x1400  }
0x7a: {  	s3 =	simm.s32 $0x280;
	[sflag:s16] =	ssyncset.done $0x0  }
.LBB2_5:
0x7b: {  	p0 =	sne.s32 s3, $0x1B80  }
0x7c: {  	[sflag:s16] =	ssyncadd.s32 $0xFFFFEC00;
	s7 =	smov.u32 s3;
	s3 =	sadd.s32 $0x280, s3  }
0x7d: {  	_ = 	snop  }
0x7e: {  	_ =	swait.ge [sflag:s24], $0x1400  }
0x7f: {  	s7 =	sshra.s32 s7, $0x2;
	[sflag:s24] =	ssyncset.done $0x0  }
0x80: {  	s8 =	sadd.s32 $0x14870, s7;
	[sflag:s24] =	ssyncadd.s32 $0xFFFFEC00  }
0x81: {  	[tilespmem:s25], [sflag:$0x2] =	stream.indirect.gather [spmem:s1], $0x40, s8, s22, $0xb8;
	[tilespmem:$0x17FC0] =	vst v63  }
0x82: {  	s8 =	sadd.s32 $0x14FF0, s7  }
0x83: {  	[spmem:s2] =	stream.indirect.scatter.add.f32 [tilespmem:s23], [sflag:$0x5], $0x40, s8, s22, $0xb8;
	[tilespmem:$0x17FC0] =	vst v63  }
0x84: {  	_ =	swait.ge [sflag:s16], $0x1400  }
0x85: {  	[sflag:s16] =	ssyncset.done $0x0  }
0x86: {  	[sflag:s16] =	ssyncadd.s32 $0xFFFFEC00  }
0x87: {  	_ =	swait.ge [sflag:s26], $0x1400  }
0x88: {  	[sflag:s26] =	ssyncset.done $0x0  }
0x89: {  	s8 =	sadd.s32 $0x148C0, s7;
	[sflag:s26] =	ssyncadd.s32 $0xFFFFEC00  }
0x8a: {  	[tilespmem:s23], [sflag:$0x1] =	stream.indirect.gather [spmem:s1], $0x40, s8, s22, $0xb8;
	[tilespmem:$0x17FC0] =	vst v63  }
.Ltmp1:
0x8b: {  	_ = 	snop;
	(pc) =	sbr.rel @p0 .LBB2_5-.Ltmp1, $4  }
0x8c: {  	s7 =	sadd.s32 $0x15040, s7  }
0x8d: {  	[spmem:s2] =	stream.indirect.scatter.add.f32 [tilespmem:s25], [sflag:$0x5], $0x40, s7, s22, $0xb8;
	[tilespmem:$0x17FC0] =	vst v63  }
0x8e: {  	_ =	swait.ge [sflag:s16], $0x1400  }
0x8f: {  	[sflag:s16] =	ssyncset.done $0x0  }
0x90: {  	[sflag:s16] =	ssyncadd.s32 $0xFFFFEC00  }
0x91: {  	_ =	swait.ge [sflag:s24], $0x1400  }
0x92: {  	[sflag:s24] =	ssyncset.done $0x0  }
0x93: {  	[sflag:s24] =	ssyncadd.s32 $0xFFFFEC00  }
0x94: {  	[spmem:s2] =	stream.indirect.scatter.add.f32 [tilespmem:s23], [sflag:$0x5], $0x40, s31, s22, $0xb8;
	[tilespmem:$0x17FC0] =	vst v63  }
0x95: {  	_ =	swait.ge [sflag:s16], $0x1400  }
0x96: {  	[sflag:s16] =	ssyncset.done $0x0  }
0x97: {  	s4 =	sadd.s32 $0x1, s4;
	[sflag:s16] =	ssyncadd.s32 $0xFFFFEC00  }
0x98: {  	p0 =	sne.s32 s4, $0x5;
	_ =	swait.ge [sflag:s29], $0x7D0  }
.Ltmp2:
0x99: {  	[sflag:s29] =	ssyncset.done $0x0;
	(pc) =	sbr.rel @p0 .LBB2_2-.Ltmp2, $4  }
0x9a: {  	[sflag:s29] =	ssyncadd.s32 $0xFFFFF830  }
0x9b: {  	_ =	swait.ge [sflag:s30], $0x7D0  }
0x9c: {  	[sflag:s30] =	ssyncset.done $0x0  }
0x9d: {  	[sflag:s30] =	ssyncadd.s32 $0xFFFFF830  }
0x9e: {  	s0 =	sadd.s32 $0x1, s0  }
0x9f: {  	p0 =	sne.s32 s0, s11  }
.Ltmp3:
0xa0: {  	[bflag:$0x0] =	sbarrier.arrive $0xFFFF;
	(pc) =	sbr.rel @p0 .LBB2_1-.Ltmp3, $4  }
0xa1: {  	[hbm:s14], [sflag:s13] =	dma.local [spmem:s17], $0x1388  }
0xa2: {  	_ =	swait.ge [sflag:s16], $0x1388  }
0xa3: {  	[sflag:s16] =	ssyncset.done $0x0  }
0xa4: {  	[sflag:s16] =	ssyncadd.s32 $0xFFFFEC78  }
0xa5: {  	_ =	sfence.sel $0x180000  }
0xa6: {  	[bflag:$0x0] =	sbarrier.arrive $0xFFFF  }
0xa7: {  	_ =	strace $0x9000004A  }
0xa8: {  	s0 =	stileid.u32;
	[bflag:$0x2] =	sbarrier.arrive $0xFFFF  }
0xa9: {  	p0 =	sne.s32 s0, $0x0;
	s0 =	rddreg [dreg:$0x4]  }
0xaa: {  	s0 =	sadd.s32 @!p0 $0x100000, s0  }
0xab: {  	[sflag:s0] =	ssyncadd.tile.s32 @!p0 $0x1;
	_ =	shalt  }
.Lfunc_end2:
_tile_overlayer_lowered:
.L_overlay_start_2:
0xac: {  	(tag) =	ssettag $0x2  }
0xad: {  	s0 =	rddreg [dreg:$0x0];
	s2 =	stileid.u32  }
0xae: {  	s1 =	rddreg [dreg:$0x1];
	p0 =	sne.s32 s2, $0x0  }
0xaf: {  	s3 =	rddreg [dreg:$0x2];
	[bflag:$0x3] =	sbarrier.arrive $0xFFFF;
	s2 =	simm.s32 @!p0 $0x1C05  }
0xb0: {  	[timem:s3], [sflag:s2] =	dma.local @!p0 [hbm:s0], s1  }
0xb1: {  	s0 =	simm.s32 @!p0 $0x5  }
0xb2: {  	_ =	swait.ge @!p0 [sflag:s0], s1  }
0xb3: {  	s1 =	ssub.s32 @!p0 $0x0, s1;
	[sflag:s0] =	ssyncset.done @!p0 $0x0  }
0xb4: {  	[sflag:s0] =	ssyncadd.s32 @!p0 s1  }
0xb5: {  	[bflag:$0x3] =	sbarrier.arrive $0xFFFF  }
0xb6: {  	_ =	shalt  }

</sc_bundles>
